<compile_context>
chip_gen: v7x
topology: tpu7x:2x2x1
jax: 0.10.2.dev20260603
libtpu: 0.0.44.dev20260713+nightly
codegen_flags: <defaults>
</compile_context>

<pallas_src>
import functools

import jax
import jax.numpy as jnp
from jax import lax
from jax.experimental import pallas as pl
from jax.experimental.pallas import tpu as pltpu
from jax.experimental.pallas import tpu_sc as plsc


def _sc_gather(dt_table, rd_table, idx_dt, idx_rd):
    B = idx_dt.shape[0]
    d_dt = dt_table.shape[1]
    d_rd = rd_table.shape[1]
    info = plsc.get_sparse_core_info()
    nw = info.num_cores * info.num_subcores
    nl = info.num_lanes
    bpw = B // nw
    chunk = bpw // 2

    mesh = plsc.VectorSubcoreMesh(core_axis_name="c", subcore_axis_name="s")

    @functools.partial(
        pl.kernel,
        mesh=mesh,
        out_type=(
            jax.ShapeDtypeStruct((B, d_dt), jnp.float32),
            jax.ShapeDtypeStruct((B, d_rd), jnp.float32),
        ),
        scratch_types=[
            pltpu.VMEM((bpw,), jnp.int32),
            pltpu.VMEM((bpw,), jnp.int32),
            pltpu.VMEM((chunk, d_dt), jnp.float32),
            pltpu.VMEM((chunk, d_rd), jnp.float32),
            pltpu.SemaphoreType.DMA,
            pltpu.SemaphoreType.DMA,
        ],
    )
    def gather_k(dt_hbm, rd_hbm, idt_hbm, ird_hbm, out_dt, out_rd,
                 idt_v, ird_v, dt_buf, rd_buf, sem_dt, sem_rd):
        wid = lax.axis_index("s") * info.num_cores + lax.axis_index("c")
        base = wid * bpw
        pltpu.sync_copy(idt_hbm.at[pl.ds(base, bpw)], idt_v)
        pltpu.sync_copy(ird_hbm.at[pl.ds(base, bpw)], ird_v)

        for half in range(2):
            def fire(j, _):
                vi_dt = idt_v[pl.ds(half * chunk + j * nl, nl)]
                vi_rd = ird_v[pl.ds(half * chunk + j * nl, nl)]
                for k in range(nl):
                    i = j * nl + k
                    pltpu.async_copy(dt_hbm.at[pl.ds(vi_dt[k], 1), :],
                                     dt_buf.at[pl.ds(i, 1), :], sem_dt)
                    pltpu.async_copy(rd_hbm.at[pl.ds(vi_rd[k], 1), :],
                                     rd_buf.at[pl.ds(i, 1), :], sem_rd)
                return _

            lax.fori_loop(0, chunk // nl, fire, None)
            pltpu.make_async_copy(dt_hbm.at[pl.ds(0, chunk), :], dt_buf,
                                  sem_dt).wait()
            pltpu.make_async_copy(rd_hbm.at[pl.ds(0, chunk), :], rd_buf,
                                  sem_rd).wait()
            off = base + half * chunk
            pltpu.sync_copy(dt_buf, out_dt.at[pl.ds(off, chunk)])
            pltpu.sync_copy(rd_buf, out_rd.at[pl.ds(off, chunk)])

    return gather_k(dt_table, rd_table, idx_dt, idx_rd)


def _tc_mlp(xdt, xrd, w1, w2, b2d):
    B = xdt.shape[0]
    hid = w1.shape[1]
    blk = 2048
    grid = (B // blk,)

    def body(xdt_ref, xrd_ref, w1_ref, w2_ref, b_ref, o_ref):
        acc = jnp.dot(xdt_ref[...], w1_ref[...],
                      preferred_element_type=jnp.float32)
        acc += jnp.dot(xrd_ref[...], w2_ref[...],
                       preferred_element_type=jnp.float32)
        o_ref[...] = jnp.maximum(acc + b_ref[...], 0.0)

    return pl.pallas_call(
        body,
        grid=grid,
        in_specs=[
            pl.BlockSpec((blk, xdt.shape[1]), lambda i: (i, 0)),
            pl.BlockSpec((blk, xrd.shape[1]), lambda i: (i, 0)),
            pl.BlockSpec(w1.shape, lambda i: (0, 0)),
            pl.BlockSpec(w2.shape, lambda i: (0, 0)),
            pl.BlockSpec(b2d.shape, lambda i: (0, 0)),
        ],
        out_specs=pl.BlockSpec((blk, hid), lambda i: (i, 0)),
        out_shape=jax.ShapeDtypeStruct((B, hid), jnp.float32),
    )(xdt, xrd, w1, w2, b2d)


def kernel(x, dt_table, rd_table, W, b):
    d_dt = dt_table.shape[1]
    idx_dt = x[:, 0]
    idx_rd = x[:, 1]
    g_dt, g_rd = _sc_gather(dt_table, rd_table, idx_dt, idx_rd)
    w1 = W[:d_dt]
    w2 = W[d_dt:]
    return _tc_mlp(g_dt, g_rd, w1, w2, b.reshape(1, -1))

# --- scband reference (transcript-rebuilt; emitter-appended) ---
"""Pipeline reference for scband-categorical-embedding-43997644980468 (READ-ONLY COPY).

The authoritative reference and input builder live on the scoring server;
editing this copy changes nothing except your own understanding.
"""

import jax, jax.numpy as jnp
import numpy as np

DT_TABLE_SIZE = 2880
SEC_TABLE_SIZE = 1000000
DT_EMB = 32
RD_EMB = 64
HID = 128
B = 16384


def setup_inputs(seed: int = 0) -> dict:
    key = jax.random.key(seed)
    k1, k2, k3, k4, k5 = jax.random.split(key, 5)
    # x[..., 0] indexes the datetime table, x[..., 1] indexes the road table.
    x_dt = jax.random.randint(k1, (B, 1), 0, DT_TABLE_SIZE, dtype=jnp.int32)
    x_rd = jax.random.randint(k2, (B, 1), 0, SEC_TABLE_SIZE, dtype=jnp.int32)
    x = jnp.concatenate([x_dt, x_rd], axis=1)
    dt_table = jax.random.normal(k3, (DT_TABLE_SIZE, DT_EMB), dtype=jnp.float32) * 0.02
    rd_table = jax.random.normal(k4, (SEC_TABLE_SIZE, RD_EMB), dtype=jnp.float32) * 0.02
    kW, kb = jax.random.split(k5)
    n_emb = DT_EMB + RD_EMB
    W = jax.random.normal(kW, (n_emb, HID), dtype=jnp.float32) * (1.0 / np.sqrt(n_emb))
    b = jnp.zeros((HID,), dtype=jnp.float32)
    return {"x": x, "dt_table": dt_table, "rd_table": rd_table, "W": W, "b": b}


def reference(x, dt_table, rd_table, W, b):
    # embedding lookups (gather -> SparseCore)
    x_dt = jnp.take(dt_table, x[..., 0], axis=0)
    x_rd = jnp.take(rd_table, x[..., 1], axis=0)
    h = jnp.concatenate([x_dt, x_rd], axis=1)
    out = jax.nn.relu(h @ W + b)
    return out

if __name__ == "__main__":
    import jax
    _d = setup_inputs()
    print(jax.jit(kernel)(*tuple(_d.values())))

</pallas_src>

<mosaic_0001>
#map = affine_map<(d0, d1) -> (0, 0)>
#map1 = affine_map<(d0, d1) -> (0)>
module attributes {stable_mosaic.version = 14 : i64} {
  func.func @gather_k(%arg0: i32, %arg1: i32, %arg2: memref<2880x32xf32, #tpu.memory_space<hbm>>, %arg3: memref<1000000x64xf32, #tpu.memory_space<hbm>>, %arg4: memref<16384xi32, #tpu.memory_space<hbm>>, %arg5: memref<16384xi32, #tpu.memory_space<hbm>>, %arg6: memref<16384x32xf32, #tpu.memory_space<hbm>>, %arg7: memref<16384x64xf32, #tpu.memory_space<hbm>>, %arg8: memref<512xi32, #tpu.memory_space<vmem>>, %arg9: memref<512xi32, #tpu.memory_space<vmem>>, %arg10: memref<256x32xf32, #tpu.memory_space<vmem>>, %arg11: memref<256x64xf32, #tpu.memory_space<vmem>>, %arg12: memref<!tpu.dma_semaphore, #tpu.memory_space<semaphore_mem>>, %arg13: memref<!tpu.dma_semaphore, #tpu.memory_space<semaphore_mem>>) attributes {dimension_semantics = [#tpu.dimension_semantics<core_parallel>, #tpu.dimension_semantics<subcore_parallel>], iteration_bounds = array<i64: 2, 16>, scalar_prefetch = 0 : i64, scratch_operands = 6 : i64, tpu.core_type = #tpu.core_type<sc_vector_subcore>, window_params = [{transform_indices = #map}, {transform_indices = #map}, {transform_indices = #map1}, {transform_indices = #map1}, {transform_indices = #map}, {transform_indices = #map}]} {
    %mul3A = arith.constant 2 : i32
    %mul3A_0 = arith.muli %arg1, %mul3A : i32
    %add3A = arith.addi %mul3A_0, %arg0 : i32
    %mul3A_1 = arith.constant 512 : i32
    %mul3A_2 = arith.muli %add3A, %mul3A_1 : i32
    "tpu.region"() ({
      %run_scoped3A = tpu.sem_alloc : memref<!tpu.dma_semaphore, #tpu.memory_space<semaphore_mem>>
      %dma_start3A = tpu.memref_slice %arg4[%mul3A_2] : memref<16384xi32, #tpu.memory_space<hbm>> -> memref<512xi32, #tpu.memory_space<hbm>>
      %dma_start3A_39 = tpu.memref_slice %arg4[%mul3A_2] : memref<16384xi32, #tpu.memory_space<hbm>> -> memref<512xi32, #tpu.memory_space<hbm>>
      tpu.enqueue_dma source(%dma_start3A_39 : memref<512xi32, #tpu.memory_space<hbm>>) target(%arg8 : memref<512xi32, #tpu.memory_space<vmem>>) target_semaphore(%run_scoped3A : memref<!tpu.dma_semaphore, #tpu.memory_space<semaphore_mem>>)
      %dma_wait3A_40 = tpu.memref_slice %arg4[%mul3A_2] : memref<16384xi32, #tpu.memory_space<hbm>> -> memref<512xi32, #tpu.memory_space<hbm>>
      %dma_wait3A_41 = tpu.memref_slice %arg4[%mul3A_2] : memref<16384xi32, #tpu.memory_space<hbm>> -> memref<512xi32, #tpu.memory_space<hbm>>
      tpu.wait_dma2 semaphore(%run_scoped3A : memref<!tpu.dma_semaphore, #tpu.memory_space<semaphore_mem>>) src(%dma_wait3A_41 : memref<512xi32, #tpu.memory_space<hbm>>) dst(%arg8 : memref<512xi32, #tpu.memory_space<vmem>>)
      tpu.yield
    }) : () -> ()
    "tpu.region"() ({
      %run_scoped3A = tpu.sem_alloc : memref<!tpu.dma_semaphore, #tpu.memory_space<semaphore_mem>>
      %dma_start3A = tpu.memref_slice %arg5[%mul3A_2] : memref<16384xi32, #tpu.memory_space<hbm>> -> memref<512xi32, #tpu.memory_space<hbm>>
      %dma_start3A_39 = tpu.memref_slice %arg5[%mul3A_2] : memref<16384xi32, #tpu.memory_space<hbm>> -> memref<512xi32, #tpu.memory_space<hbm>>
      tpu.enqueue_dma source(%dma_start3A_39 : memref<512xi32, #tpu.memory_space<hbm>>) target(%arg9 : memref<512xi32, #tpu.memory_space<vmem>>) target_semaphore(%run_scoped3A : memref<!tpu.dma_semaphore, #tpu.memory_space<semaphore_mem>>)
      %dma_wait3A_40 = tpu.memref_slice %arg5[%mul3A_2] : memref<16384xi32, #tpu.memory_space<hbm>> -> memref<512xi32, #tpu.memory_space<hbm>>
      %dma_wait3A_41 = tpu.memref_slice %arg5[%mul3A_2] : memref<16384xi32, #tpu.memory_space<hbm>> -> memref<512xi32, #tpu.memory_space<hbm>>
      tpu.wait_dma2 semaphore(%run_scoped3A : memref<!tpu.dma_semaphore, #tpu.memory_space<semaphore_mem>>) src(%dma_wait3A_41 : memref<512xi32, #tpu.memory_space<hbm>>) dst(%arg9 : memref<512xi32, #tpu.memory_space<vmem>>)
      tpu.yield
    }) : () -> ()
    %scan3A = arith.constant 0 : i32
    %scan3A_3 = arith.constant 16 : i32
    %scan3A_4 = arith.addi %scan3A, %scan3A_3 : i32
    %scan3A_5 = arith.constant 1 : i32
    scf.for %scan3A_39 = %scan3A to %scan3A_4 step %scan3A_5  : i32 {
      %mul3A_40 = arith.constant 16 : i32
      %mul3A_41 = arith.muli %scan3A_39, %mul3A_40 : i32
      %add3A_42 = arith.constant 0 : i32
      %add3A_43 = arith.addi %add3A_42, %mul3A_41 : i32
      %get3A = arith.index_cast %add3A_43 : i32 to index
      %get3A_44 = tpu.vector_load %arg8[%get3A] {strides = array<i32>} : memref<512xi32, #tpu.memory_space<vmem>>, vector<16xi32>,
      %get3A_45 = vector.shape_cast %get3A_44 : vector<16xi32> to vector<16xi32>
      %mul3A_46 = arith.constant 16 : i32
      %mul3A_47 = arith.muli %scan3A_39, %mul3A_46 : i32
      %add3A_48 = arith.constant 0 : i32
      %add3A_49 = arith.addi %add3A_48, %mul3A_47 : i32
      %get3A_50 = arith.index_cast %add3A_49 : i32 to index
      %get3A_51 = tpu.vector_load %arg9[%get3A_50] {strides = array<i32>} : memref<512xi32, #tpu.memory_space<vmem>>, vector<16xi32>,
      %get3A_52 = vector.shape_cast %get3A_51 : vector<16xi32> to vector<16xi32>
      %mul3A_53 = arith.constant 16 : i32
      %mul3A_54 = arith.muli %scan3A_39, %mul3A_53 : i32
      %add3A_55 = arith.constant 0 : i32
      %add3A_56 = arith.addi %mul3A_54, %add3A_55 : i32
      %slice3A = vector.extract_strided_slice %get3A_45 {offsets = [0], sizes = [1], strides = [1]} : vector<16xi32> to vector<1xi32>
      %squeeze3A = vector.extract %slice3A[0] : i32 from vector<1xi32>
      %dma_start3A = arith.constant 0 : i32
      %dma_start3A_57 = tpu.memref_slice %arg10[%add3A_56, %dma_start3A] : memref<256x32xf32, #tpu.memory_space<vmem>> -> memref<1x32xf32, #tpu.memory_space<vmem>>
      %dma_start3A_58 = arith.constant 0 : i32
      %dma_start3A_59 = tpu.memref_slice %arg2[%squeeze3A, %dma_start3A_58] : memref<2880x32xf32, #tpu.memory_space<hbm>> -> memref<1x32xf32, #tpu.memory_space<hbm>>
      %dma_start3A_60 = arith.constant 0 : i32
      %dma_start3A_61 = tpu.memref_slice %arg10[%add3A_56, %dma_start3A_60] : memref<256x32xf32, #tpu.memory_space<vmem>> -> memref<1x32xf32, #tpu.memory_space<vmem>>
      %dma_start3A_62 = arith.constant 0 : i32
      %dma_start3A_63 = tpu.memref_slice %arg2[%squeeze3A, %dma_start3A_62] : memref<2880x32xf32, #tpu.memory_space<hbm>> -> memref<1x32xf32, #tpu.memory_space<hbm>>
      tpu.enqueue_dma source(%dma_start3A_63 : memref<1x32xf32, #tpu.memory_space<hbm>>) target(%dma_start3A_61 : memref<1x32xf32, #tpu.memory_space<vmem>>) target_semaphore(%arg12 : memref<!tpu.dma_semaphore, #tpu.memory_space<semaphore_mem>>)
      %slice3A_64 = vector.extract_strided_slice %get3A_52 {offsets = [0], sizes = [1], strides = [1]} : vector<16xi32> to vector<1xi32>
      %squeeze3A_65 = vector.extract %slice3A_64[0] : i32 from vector<1xi32>
      %dma_start3A_66 = arith.constant 0 : i32
      %dma_start3A_67 = tpu.memref_slice %arg11[%add3A_56, %dma_start3A_66] : memref<256x64xf32, #tpu.memory_space<vmem>> -> memref<1x64xf32, #tpu.memory_space<vmem>>
      %dma_start3A_68 = arith.constant 0 : i32
      %dma_start3A_69 = tpu.memref_slice %arg3[%squeeze3A_65, %dma_start3A_68] : memref<1000000x64xf32, #tpu.memory_space<hbm>> -> memref<1x64xf32, #tpu.memory_space<hbm>>
      %dma_start3A_70 = arith.constant 0 : i32
      %dma_start3A_71 = tpu.memref_slice %arg11[%add3A_56, %dma_start3A_70] : memref<256x64xf32, #tpu.memory_space<vmem>> -> memref<1x64xf32, #tpu.memory_space<vmem>>
      %dma_start3A_72 = arith.constant 0 : i32
      %dma_start3A_73 = tpu.memref_slice %arg3[%squeeze3A_65, %dma_start3A_72] : memref<1000000x64xf32, #tpu.memory_space<hbm>> -> memref<1x64xf32, #tpu.memory_space<hbm>>
      tpu.enqueue_dma source(%dma_start3A_73 : memref<1x64xf32, #tpu.memory_space<hbm>>) target(%dma_start3A_71 : memref<1x64xf32, #tpu.memory_space<vmem>>) target_semaphore(%arg13 : memref<!tpu.dma_semaphore, #tpu.memory_space<semaphore_mem>>)
      %mul3A_74 = arith.constant 16 : i32
      %mul3A_75 = arith.muli %scan3A_39, %mul3A_74 : i32
      %add3A_76 = arith.constant 1 : i32
      %add3A_77 = arith.addi %mul3A_75, %add3A_76 : i32
      %slice3A_78 = vector.extract_strided_slice %get3A_45 {offsets = [1], sizes = [1], strides = [1]} : vector<16xi32> to vector<1xi32>
      %squeeze3A_79 = vector.extract %slice3A_78[0] : i32 from vector<1xi32>
      %dma_start3A_80 = arith.constant 0 : i32
      %dma_start3A_81 = tpu.memref_slice %arg10[%add3A_77, %dma_start3A_80] : memref<256x32xf32, #tpu.memory_space<vmem>> -> memref<1x32xf32, #tpu.memory_space<vmem>>
      %dma_start3A_82 = arith.constant 0 : i32
      %dma_start3A_83 = tpu.memref_slice %arg2[%squeeze3A_79, %dma_start3A_82] : memref<2880x32xf32, #tpu.memory_space<hbm>> -> memref<1x32xf32, #tpu.memory_space<hbm>>
      %dma_start3A_84 = arith.constant 0 : i32
      %dma_start3A_85 = tpu.memref_slice %arg10[%add3A_77, %dma_start3A_84] : memref<256x32xf32, #tpu.memory_space<vmem>> -> memref<1x32xf32, #tpu.memory_space<vmem>>
      %dma_start3A_86 = arith.constant 0 : i32
      %dma_start3A_87 = tpu.memref_slice %arg2[%squeeze3A_79, %dma_start3A_86] : memref<2880x32xf32, #tpu.memory_space<hbm>> -> memref<1x32xf32, #tpu.memory_space<hbm>>
      tpu.enqueue_dma source(%dma_start3A_87 : memref<1x32xf32, #tpu.memory_space<hbm>>) target(%dma_start3A_85 : memref<1x32xf32, #tpu.memory_space<vmem>>) target_semaphore(%arg12 : memref<!tpu.dma_semaphore, #tpu.memory_space<semaphore_mem>>)
      %slice3A_88 = vector.extract_strided_slice %get3A_52 {offsets = [1], sizes = [1], strides = [1]} : vector<16xi32> to vector<1xi32>
      %squeeze3A_89 = vector.extract %slice3A_88[0] : i32 from vector<1xi32>
      %dma_start3A_90 = arith.constant 0 : i32
      %dma_start3A_91 = tpu.memref_slice %arg11[%add3A_77, %dma_start3A_90] : memref<256x64xf32, #tpu.memory_space<vmem>> -> memref<1x64xf32, #tpu.memory_space<vmem>>
      %dma_start3A_92 = arith.constant 0 : i32
      %dma_start3A_93 = tpu.memref_slice %arg3[%squeeze3A_89, %dma_start3A_92] : memref<1000000x64xf32, #tpu.memory_space<hbm>> -> memref<1x64xf32, #tpu.memory_space<hbm>>
      %dma_start3A_94 = arith.constant 0 : i32
      %dma_start3A_95 = tpu.memref_slice %arg11[%add3A_77, %dma_start3A_94] : memref<256x64xf32, #tpu.memory_space<vmem>> -> memref<1x64xf32, #tpu.memory_space<vmem>>
      %dma_start3A_96 = arith.constant 0 : i32
      %dma_start3A_97 = tpu.memref_slice %arg3[%squeeze3A_89, %dma_start3A_96] : memref<1000000x64xf32, #tpu.memory_space<hbm>> -> memref<1x64xf32, #tpu.memory_space<hbm>>
      tpu.enqueue_dma source(%dma_start3A_97 : memref<1x64xf32, #tpu.memory_space<hbm>>) target(%dma_start3A_95 : memref<1x64xf32, #tpu.memory_space<vmem>>) target_semaphore(%arg13 : memref<!tpu.dma_semaphore, #tpu.memory_space<semaphore_mem>>)
      %mul3A_98 = arith.constant 16 : i32
      %mul3A_99 = arith.muli %scan3A_39, %mul3A_98 : i32
      %add3A_100 = arith.constant 2 : i32
      %add3A_101 = arith.addi %mul3A_99, %add3A_100 : i32
      %slice3A_102 = vector.extract_strided_slice %get3A_45 {offsets = [2], sizes = [1], strides = [1]} : vector<16xi32> to vector<1xi32>
      %squeeze3A_103 = vector.extract %slice3A_102[0] : i32 from vector<1xi32>
      %dma_start3A_104 = arith.constant 0 : i32
      %dma_start3A_105 = tpu.memref_slice %arg10[%add3A_101, %dma_start3A_104] : memref<256x32xf32, #tpu.memory_space<vmem>> -> memref<1x32xf32, #tpu.memory_space<vmem>>
      %dma_start3A_106 = arith.constant 0 : i32
      %dma_start3A_107 = tpu.memref_slice %arg2[%squeeze3A_103, %dma_start3A_106] : memref<2880x32xf32, #tpu.memory_space<hbm>> -> memref<1x32xf32, #tpu.memory_space<hbm>>
      %dma_start3A_108 = arith.constant 0 : i32
      %dma_start3A_109 = tpu.memref_slice %arg10[%add3A_101, %dma_start3A_108] : memref<256x32xf32, #tpu.memory_space<vmem>> -> memref<1x32xf32, #tpu.memory_space<vmem>>
      %dma_start3A_110 = arith.constant 0 : i32
      %dma_start3A_111 = tpu.memref_slice %arg2[%squeeze3A_103, %dma_start3A_110] : memref<2880x32xf32, #tpu.memory_space<hbm>> -> memref<1x32xf32, #tpu.memory_space<hbm>>
      tpu.enqueue_dma source(%dma_start3A_111 : memref<1x32xf32, #tpu.memory_space<hbm>>) target(%dma_start3A_109 : memref<1x32xf32, #tpu.memory_space<vmem>>) target_semaphore(%arg12 : memref<!tpu.dma_semaphore, #tpu.memory_space<semaphore_mem>>)
      %slice3A_112 = vector.extract_strided_slice %get3A_52 {offsets = [2], sizes = [1], strides = [1]} : vector<16xi32> to vector<1xi32>
      %squeeze3A_113 = vector.extract %slice3A_112[0] : i32 from vector<1xi32>
      %dma_start3A_114 = arith.constant 0 : i32
      %dma_start3A_115 = tpu.memref_slice %arg11[%add3A_101, %dma_start3A_114] : memref<256x64xf32, #tpu.memory_space<vmem>> -> memref<1x64xf32, #tpu.memory_space<vmem>>
      %dma_start3A_116 = arith.constant 0 : i32
      %dma_start3A_117 = tpu.memref_slice %arg3[%squeeze3A_113, %dma_start3A_116] : memref<1000000x64xf32, #tpu.memory_space<hbm>> -> memref<1x64xf32, #tpu.memory_space<hbm>>
      %dma_start3A_118 = arith.constant 0 : i32
      %dma_start3A_119 = tpu.memref_slice %arg11[%add3A_101, %dma_start3A_118] : memref<256x64xf32, #tpu.memory_space<vmem>> -> memref<1x64xf32, #tpu.memory_space<vmem>>
      %dma_start3A_120 = arith.constant 0 : i32
      %dma_start3A_121 = tpu.memref_slice %arg3[%squeeze3A_113, %dma_start3A_120] : memref<1000000x64xf32, #tpu.memory_space<hbm>> -> memref<1x64xf32, #tpu.memory_space<hbm>>
      tpu.enqueue_dma source(%dma_start3A_121 : memref<1x64xf32, #tpu.memory_space<hbm>>) target(%dma_start3A_119 : memref<1x64xf32, #tpu.memory_space<vmem>>) target_semaphore(%arg13 : memref<!tpu.dma_semaphore, #tpu.memory_space<semaphore_mem>>)
      %mul3A_122 = arith.constant 16 : i32
      %mul3A_123 = arith.muli %scan3A_39, %mul3A_122 : i32
      %add3A_124 = arith.constant 3 : i32
      %add3A_125 = arith.addi %mul3A_123, %add3A_124 : i32
      %slice3A_126 = vector.extract_strided_slice %get3A_45 {offsets = [3], sizes = [1], strides = [1]} : vector<16xi32> to vector<1xi32>
      %squeeze3A_127 = vector.extract %slice3A_126[0] : i32 from vector<1xi32>
      %dma_start3A_128 = arith.constant 0 : i32
      %dma_start3A_129 = tpu.memref_slice %arg10[%add3A_125, %dma_start3A_128] : memref<256x32xf32, #tpu.memory_space<vmem>> -> memref<1x32xf32, #tpu.memory_space<vmem>>
      %dma_start3A_130 = arith.constant 0 : i32
      %dma_start3A_131 = tpu.memref_slice %arg2[%squeeze3A_127, %dma_start3A_130] : memref<2880x32xf32, #tpu.memory_space<hbm>> -> memref<1x32xf32, #tpu.memory_space<hbm>>
      %dma_start3A_132 = arith.constant 0 : i32
      %dma_start3A_133 = tpu.memref_slice %arg10[%add3A_125, %dma_start3A_132] : memref<256x32xf32, #tpu.memory_space<vmem>> -> memref<1x32xf32, #tpu.memory_space<vmem>>
      %dma_start3A_134 = arith.constant 0 : i32
      %dma_start3A_135 = tpu.memref_slice %arg2[%squeeze3A_127, %dma_start3A_134] : memref<2880x32xf32, #tpu.memory_space<hbm>> -> memref<1x32xf32, #tpu.memory_space<hbm>>
      tpu.enqueue_dma source(%dma_start3A_135 : memref<1x32xf32, #tpu.memory_space<hbm>>) target(%dma_start3A_133 : memref<1x32xf32, #tpu.memory_space<vmem>>) target_semaphore(%arg12 : memref<!tpu.dma_semaphore, #tpu.memory_space<semaphore_mem>>)
      %slice3A_136 = vector.extract_strided_slice %get3A_52 {offsets = [3], sizes = [1], strides = [1]} : vector<16xi32> to vector<1xi32>
      %squeeze3A_137 = vector.extract %slice3A_136[0] : i32 from vector<1xi32>
      %dma_start3A_138 = arith.constant 0 : i32
      %dma_start3A_139 = tpu.memref_slice %arg11[%add3A_125, %dma_start3A_138] : memref<256x64xf32, #tpu.memory_space<vmem>> -> memref<1x64xf32, #tpu.memory_space<vmem>>
      %dma_start3A_140 = arith.constant 0 : i32
      %dma_start3A_141 = tpu.memref_slice %arg3[%squeeze3A_137, %dma_start3A_140] : memref<1000000x64xf32, #tpu.memory_space<hbm>> -> memref<1x64xf32, #tpu.memory_space<hbm>>
      %dma_start3A_142 = arith.constant 0 : i32
      %dma_start3A_143 = tpu.memref_slice %arg11[%add3A_125, %dma_start3A_142] : memref<256x64xf32, #tpu.memory_space<vmem>> -> memref<1x64xf32, #tpu.memory_space<vmem>>
      %dma_start3A_144 = arith.constant 0 : i32
      %dma_start3A_145 = tpu.memref_slice %arg3[%squeeze3A_137, %dma_start3A_144] : memref<1000000x64xf32, #tpu.memory_space<hbm>> -> memref<1x64xf32, #tpu.memory_space<hbm>>
      tpu.enqueue_dma source(%dma_start3A_145 : memref<1x64xf32, #tpu.memory_space<hbm>>) target(%dma_start3A_143 : memref<1x64xf32, #tpu.memory_space<vmem>>) target_semaphore(%arg13 : memref<!tpu.dma_semaphore, #tpu.memory_space<semaphore_mem>>)
      %mul3A_146 = arith.constant 16 : i32
      %mul3A_147 = arith.muli %scan3A_39, %mul3A_146 : i32
      %add3A_148 = arith.constant 4 : i32
      %add3A_149 = arith.addi %mul3A_147, %add3A_148 : i32
      %slice3A_150 = vector.extract_strided_slice %get3A_45 {offsets = [4], sizes = [1], strides = [1]} : vector<16xi32> to vector<1xi32>
      %squeeze3A_151 = vector.extract %slice3A_150[0] : i32 from vector<1xi32>
      %dma_start3A_152 = arith.constant 0 : i32
      %dma_start3A_153 = tpu.memref_slice %arg10[%add3A_149, %dma_start3A_152] : memref<256x32xf32, #tpu.memory_space<vmem>> -> memref<1x32xf32, #tpu.memory_space<vmem>>
      %dma_start3A_154 = arith.constant 0 : i32
      %dma_start3A_155 = tpu.memref_slice %arg2[%squeeze3A_151, %dma_start3A_154] : memref<2880x32xf32, #tpu.memory_space<hbm>> -> memref<1x32xf32, #tpu.memory_space<hbm>>
      %dma_start3A_156 = arith.constant 0 : i32
      %dma_start3A_157 = tpu.memref_slice %arg10[%add3A_149, %dma_start3A_156] : memref<256x32xf32, #tpu.memory_space<vmem>> -> memref<1x32xf32, #tpu.memory_space<vmem>>
      %dma_start3A_158 = arith.constant 0 : i32
      %dma_start3A_159 = tpu.memref_slice %arg2[%squeeze3A_151, %dma_start3A_158] : memref<2880x32xf32, #tpu.memory_space<hbm>> -> memref<1x32xf32, #tpu.memory_space<hbm>>
      tpu.enqueue_dma source(%dma_start3A_159 : memref<1x32xf32, #tpu.memory_space<hbm>>) target(%dma_start3A_157 : memref<1x32xf32, #tpu.memory_space<vmem>>) target_semaphore(%arg12 : memref<!tpu.dma_semaphore, #tpu.memory_space<semaphore_mem>>)
      %slice3A_160 = vector.extract_strided_slice %get3A_52 {offsets = [4], sizes = [1], strides = [1]} : vector<16xi32> to vector<1xi32>
      %squeeze3A_161 = vector.extract %slice3A_160[0] : i32 from vector<1xi32>
      %dma_start3A_162 = arith.constant 0 : i32
      %dma_start3A_163 = tpu.memref_slice %arg11[%add3A_149, %dma_start3A_162] : memref<256x64xf32, #tpu.memory_space<vmem>> -> memref<1x64xf32, #tpu.memory_space<vmem>>
      %dma_start3A_164 = arith.constant 0 : i32
      %dma_start3A_165 = tpu.memref_slice %arg3[%squeeze3A_161, %dma_start3A_164] : memref<1000000x64xf32, #tpu.memory_space<hbm>> -> memref<1x64xf32, #tpu.memory_space<hbm>>
      %dma_start3A_166 = arith.constant 0 : i32
      %dma_start3A_167 = tpu.memref_slice %arg11[%add3A_149, %dma_start3A_166] : memref<256x64xf32, #tpu.memory_space<vmem>> -> memref<1x64xf32, #tpu.memory_space<vmem>>
      %dma_start3A_168 = arith.constant 0 : i32
      %dma_start3A_169 = tpu.memref_slice %arg3[%squeeze3A_161, %dma_start3A_168] : memref<1000000x64xf32, #tpu.memory_space<hbm>> -> memref<1x64xf32, #tpu.memory_space<hbm>>
      tpu.enqueue_dma source(%dma_start3A_169 : memref<1x64xf32, #tpu.memory_space<hbm>>) target(%dma_start3A_167 : memref<1x64xf32, #tpu.memory_space<vmem>>) target_semaphore(%arg13 : memref<!tpu.dma_semaphore, #tpu.memory_space<semaphore_mem>>)
      %mul3A_170 = arith.constant 16 : i32
      %mul3A_171 = arith.muli %scan3A_39, %mul3A_170 : i32
      %add3A_172 = arith.constant 5 : i32
      %add3A_173 = arith.addi %mul3A_171, %add3A_172 : i32
      %slice3A_174 = vector.extract_strided_slice %get3A_45 {offsets = [5], sizes = [1], strides = [1]} : vector<16xi32> to vector<1xi32>
      %squeeze3A_175 = vector.extract %slice3A_174[0] : i32 from vector<1xi32>
      %dma_start3A_176 = arith.constant 0 : i32
      %dma_start3A_177 = tpu.memref_slice %arg10[%add3A_173, %dma_start3A_176] : memref<256x32xf32, #tpu.memory_space<vmem>> -> memref<1x32xf32, #tpu.memory_space<vmem>>
      %dma_start3A_178 = arith.constant 0 : i32
      %dma_start3A_179 = tpu.memref_slice %arg2[%squeeze3A_175, %dma_start3A_178] : memref<2880x32xf32, #tpu.memory_space<hbm>> -> memref<1x32xf32, #tpu.memory_space<hbm>>
      %dma_start3A_180 = arith.constant 0 : i32
      %dma_start3A_181 = tpu.memref_slice %arg10[%add3A_173, %dma_start3A_180] : memref<256x32xf32, #tpu.memory_space<vmem>> -> memref<1x32xf32, #tpu.memory_space<vmem>>
      %dma_start3A_182 = arith.constant 0 : i32
      %dma_start3A_183 = tpu.memref_slice %arg2[%squeeze3A_175, %dma_start3A_182] : memref<2880x32xf32, #tpu.memory_space<hbm>> -> memref<1x32xf32, #tpu.memory_space<hbm>>
      tpu.enqueue_dma source(%dma_start3A_183 : memref<1x32xf32, #tpu.memory_space<hbm>>) target(%dma_start3A_181 : memref<1x32xf32, #tpu.memory_space<vmem>>) target_semaphore(%arg12 : memref<!tpu.dma_semaphore, #tpu.memory_space<semaphore_mem>>)
      %slice3A_184 = vector.extract_strided_slice %get3A_52 {offsets = [5], sizes = [1], strides = [1]} : vector<16xi32> to vector<1xi32>
      %squeeze3A_185 = vector.extract %slice3A_184[0] : i32 from vector<1xi32>
      %dma_start3A_186 = arith.constant 0 : i32
      %dma_start3A_187 = tpu.memref_slice %arg11[%add3A_173, %dma_start3A_186] : memref<256x64xf32, #tpu.memory_space<vmem>> -> memref<1x64xf32, #tpu.memory_space<vmem>>
      %dma_start3A_188 = arith.constant 0 : i32
      %dma_start3A_189 = tpu.memref_slice %arg3[%squeeze3A_185, %dma_start3A_188] : memref<1000000x64xf32, #tpu.memory_space<hbm>> -> memref<1x64xf32, #tpu.memory_space<hbm>>
      %dma_start3A_190 = arith.constant 0 : i32
      %dma_start3A_191 = tpu.memref_slice %arg11[%add3A_173, %dma_start3A_190] : memref<256x64xf32, #tpu.memory_space<vmem>> -> memref<1x64xf32, #tpu.memory_space<vmem>>
      %dma_start3A_192 = arith.constant 0 : i32
      %dma_start3A_193 = tpu.memref_slice %arg3[%squeeze3A_185, %dma_start3A_192] : memref<1000000x64xf32, #tpu.memory_space<hbm>> -> memref<1x64xf32, #tpu.memory_space<hbm>>
      tpu.enqueue_dma source(%dma_start3A_193 : memref<1x64xf32, #tpu.memory_space<hbm>>) target(%dma_start3A_191 : memref<1x64xf32, #tpu.memory_space<vmem>>) target_semaphore(%arg13 : memref<!tpu.dma_semaphore, #tpu.memory_space<semaphore_mem>>)
      %mul3A_194 = arith.constant 16 : i32
      %mul3A_195 = arith.muli %scan3A_39, %mul3A_194 : i32
      %add3A_196 = arith.constant 6 : i32
      %add3A_197 = arith.addi %mul3A_195, %add3A_196 : i32
      %slice3A_198 = vector.extract_strided_slice %get3A_45 {offsets = [6], sizes = [1], strides = [1]} : vector<16xi32> to vector<1xi32>
      %squeeze3A_199 = vector.extract %slice3A_198[0] : i32 from vector<1xi32>
      %dma_start3A_200 = arith.constant 0 : i32
      %dma_start3A_201 = tpu.memref_slice %arg10[%add3A_197, %dma_start3A_200] : memref<256x32xf32, #tpu.memory_space<vmem>> -> memref<1x32xf32, #tpu.memory_space<vmem>>
      %dma_start3A_202 = arith.constant 0 : i32
      %dma_start3A_203 = tpu.memref_slice %arg2[%squeeze3A_199, %dma_start3A_202] : memref<2880x32xf32, #tpu.memory_space<hbm>> -> memref<1x32xf32, #tpu.memory_space<hbm>>
      %dma_start3A_204 = arith.constant 0 : i32
      %dma_start3A_205 = tpu.memref_slice %arg10[%add3A_197, %dma_start3A_204] : memref<256x32xf32, #tpu.memory_space<vmem>> -> memref<1x32xf32, #tpu.memory_space<vmem>>
      %dma_start3A_206 = arith.constant 0 : i32
      %dma_start3A_207 = tpu.memref_slice %arg2[%squeeze3A_199, %dma_start3A_206] : memref<2880x32xf32, #tpu.memory_space<hbm>> -> memref<1x32xf32, #tpu.memory_space<hbm>>
      tpu.enqueue_dma source(%dma_start3A_207 : memref<1x32xf32, #tpu.memory_space<hbm>>) target(%dma_start3A_205 : memref<1x32xf32, #tpu.memory_space<vmem>>) target_semaphore(%arg12 : memref<!tpu.dma_semaphore, #tpu.memory_space<semaphore_mem>>)
      %slice3A_208 = vector.extract_strided_slice %get3A_52 {offsets = [6], sizes = [1], strides = [1]} : vector<16xi32> to vector<1xi32>
      %squeeze3A_209 = vector.extract %slice3A_208[0] : i32 from vector<1xi32>
      %dma_start3A_210 = arith.constant 0 : i32
      %dma_start3A_211 = tpu.memref_slice %arg11[%add3A_197, %dma_start3A_210] : memref<256x64xf32, #tpu.memory_space<vmem>> -> memref<1x64xf32, #tpu.memory_space<vmem>>
      %dma_start3A_212 = arith.constant 0 : i32
      %dma_start3A_213 = tpu.memref_slice %arg3[%squeeze3A_209, %dma_start3A_212] : memref<1000000x64xf32, #tpu.memory_space<hbm>> -> memref<1x64xf32, #tpu.memory_space<hbm>>
      %dma_start3A_214 = arith.constant 0 : i32
      %dma_start3A_215 = tpu.memref_slice %arg11[%add3A_197, %dma_start3A_214] : memref<256x64xf32, #tpu.memory_space<vmem>> -> memref<1x64xf32, #tpu.memory_space<vmem>>
      %dma_start3A_216 = arith.constant 0 : i32
      %dma_start3A_217 = tpu.memref_slice %arg3[%squeeze3A_209, %dma_start3A_216] : memref<1000000x64xf32, #tpu.memory_space<hbm>> -> memref<1x64xf32, #tpu.memory_space<hbm>>
      tpu.enqueue_dma source(%dma_start3A_217 : memref<1x64xf32, #tpu.memory_space<hbm>>) target(%dma_start3A_215 : memref<1x64xf32, #tpu.memory_space<vmem>>) target_semaphore(%arg13 : memref<!tpu.dma_semaphore, #tpu.memory_space<semaphore_mem>>)
      %mul3A_218 = arith.constant 16 : i32
      %mul3A_219 = arith.muli %scan3A_39, %mul3A_218 : i32
      %add3A_220 = arith.constant 7 : i32
      %add3A_221 = arith.addi %mul3A_219, %add3A_220 : i32
      %slice3A_222 = vector.extract_strided_slice %get3A_45 {offsets = [7], sizes = [1], strides = [1]} : vector<16xi32> to vector<1xi32>
      %squeeze3A_223 = vector.extract %slice3A_222[0] : i32 from vector<1xi32>
      %dma_start3A_224 = arith.constant 0 : i32
      %dma_start3A_225 = tpu.memref_slice %arg10[%add3A_221, %dma_start3A_224] : memref<256x32xf32, #tpu.memory_space<vmem>> -> memref<1x32xf32, #tpu.memory_space<vmem>>
      %dma_start3A_226 = arith.constant 0 : i32
      %dma_start3A_227 = tpu.memref_slice %arg2[%squeeze3A_223, %dma_start3A_226] : memref<2880x32xf32, #tpu.memory_space<hbm>> -> memref<1x32xf32, #tpu.memory_space<hbm>>
      %dma_start3A_228 = arith.constant 0 : i32
      %dma_start3A_229 = tpu.memref_slice %arg10[%add3A_221, %dma_start3A_228] : memref<256x32xf32, #tpu.memory_space<vmem>> -> memref<1x32xf32, #tpu.memory_space<vmem>>
      %dma_start3A_230 = arith.constant 0 : i32
      %dma_start3A_231 = tpu.memref_slice %arg2[%squeeze3A_223, %dma_start3A_230] : memref<2880x32xf32, #tpu.memory_space<hbm>> -> memref<1x32xf32, #tpu.memory_space<hbm>>
      tpu.enqueue_dma source(%dma_start3A_231 : memref<1x32xf32, #tpu.memory_space<hbm>>) target(%dma_start3A_229 : memref<1x32xf32, #tpu.memory_space<vmem>>) target_semaphore(%arg12 : memref<!tpu.dma_semaphore, #tpu.memory_space<semaphore_mem>>)
      %slice3A_232 = vector.extract_strided_slice %get3A_52 {offsets = [7], sizes = [1], strides = [1]} : vector<16xi32> to vector<1xi32>
      %squeeze3A_233 = vector.extract %slice3A_232[0] : i32 from vector<1xi32>
      %dma_start3A_234 = arith.constant 0 : i32
      %dma_start3A_235 = tpu.memref_slice %arg11[%add3A_221, %dma_start3A_234] : memref<256x64xf32, #tpu.memory_space<vmem>> -> memref<1x64xf32, #tpu.memory_space<vmem>>
      %dma_start3A_236 = arith.constant 0 : i32
      %dma_start3A_237 = tpu.memref_slice %arg3[%squeeze3A_233, %dma_start3A_236] : memref<1000000x64xf32, #tpu.memory_space<hbm>> -> memref<1x64xf32, #tpu.memory_space<hbm>>
      %dma_start3A_238 = arith.constant 0 : i32
      %dma_start3A_239 = tpu.memref_slice %arg11[%add3A_221, %dma_start3A_238] : memref<256x64xf32, #tpu.memory_space<vmem>> -> memref<1x64xf32, #tpu.memory_space<vmem>>
      %dma_start3A_240 = arith.constant 0 : i32
      %dma_start3A_241 = tpu.memref_slice %arg3[%squeeze3A_233, %dma_start3A_240] : memref<1000000x64xf32, #tpu.memory_space<hbm>> -> memref<1x64xf32, #tpu.memory_space<hbm>>
      tpu.enqueue_dma source(%dma_start3A_241 : memref<1x64xf32, #tpu.memory_space<hbm>>) target(%dma_start3A_239 : memref<1x64xf32, #tpu.memory_space<vmem>>) target_semaphore(%arg13 : memref<!tpu.dma_semaphore, #tpu.memory_space<semaphore_mem>>)
      %mul3A_242 = arith.constant 16 : i32
      %mul3A_243 = arith.muli %scan3A_39, %mul3A_242 : i32
      %add3A_244 = arith.constant 8 : i32
      %add3A_245 = arith.addi %mul3A_243, %add3A_244 : i32
      %slice3A_246 = vector.extract_strided_slice %get3A_45 {offsets = [8], sizes = [1], strides = [1]} : vector<16xi32> to vector<1xi32>
      %squeeze3A_247 = vector.extract %slice3A_246[0] : i32 from vector<1xi32>
      %dma_start3A_248 = arith.constant 0 : i32
      %dma_start3A_249 = tpu.memref_slice %arg10[%add3A_245, %dma_start3A_248] : memref<256x32xf32, #tpu.memory_space<vmem>> -> memref<1x32xf32, #tpu.memory_space<vmem>>
      %dma_start3A_250 = arith.constant 0 : i32
      %dma_start3A_251 = tpu.memref_slice %arg2[%squeeze3A_247, %dma_start3A_250] : memref<2880x32xf32, #tpu.memory_space<hbm>> -> memref<1x32xf32, #tpu.memory_space<hbm>>
      %dma_start3A_252 = arith.constant 0 : i32
      %dma_start3A_253 = tpu.memref_slice %arg10[%add3A_245, %dma_start3A_252] : memref<256x32xf32, #tpu.memory_space<vmem>> -> memref<1x32xf32, #tpu.memory_space<vmem>>
      %dma_start3A_254 = arith.constant 0 : i32
      %dma_start3A_255 = tpu.memref_slice %arg2[%squeeze3A_247, %dma_start3A_254] : memref<2880x32xf32, #tpu.memory_space<hbm>> -> memref<1x32xf32, #tpu.memory_space<hbm>>
      tpu.enqueue_dma source(%dma_start3A_255 : memref<1x32xf32, #tpu.memory_space<hbm>>) target(%dma_start3A_253 : memref<1x32xf32, #tpu.memory_space<vmem>>) target_semaphore(%arg12 : memref<!tpu.dma_semaphore, #tpu.memory_space<semaphore_mem>>)
      %slice3A_256 = vector.extract_strided_slice %get3A_52 {offsets = [8], sizes = [1], strides = [1]} : vector<16xi32> to vector<1xi32>
      %squeeze3A_257 = vector.extract %slice3A_256[0] : i32 from vector<1xi32>
      %dma_start3A_258 = arith.constant 0 : i32
      %dma_start3A_259 = tpu.memref_slice %arg11[%add3A_245, %dma_start3A_258] : memref<256x64xf32, #tpu.memory_space<vmem>> -> memref<1x64xf32, #tpu.memory_space<vmem>>
      %dma_start3A_260 = arith.constant 0 : i32
      %dma_start3A_261 = tpu.memref_slice %arg3[%squeeze3A_257, %dma_start3A_260] : memref<1000000x64xf32, #tpu.memory_space<hbm>> -> memref<1x64xf32, #tpu.memory_space<hbm>>
      %dma_start3A_262 = arith.constant 0 : i32
      %dma_start3A_263 = tpu.memref_slice %arg11[%add3A_245, %dma_start3A_262] : memref<256x64xf32, #tpu.memory_space<vmem>> -> memref<1x64xf32, #tpu.memory_space<vmem>>
      %dma_start3A_264 = arith.constant 0 : i32
      %dma_start3A_265 = tpu.memref_slice %arg3[%squeeze3A_257, %dma_start3A_264] : memref<1000000x64xf32, #tpu.memory_space<hbm>> -> memref<1x64xf32, #tpu.memory_space<hbm>>
      tpu.enqueue_dma source(%dma_start3A_265 : memref<1x64xf32, #tpu.memory_space<hbm>>) target(%dma_start3A_263 : memref<1x64xf32, #tpu.memory_space<vmem>>) target_semaphore(%arg13 : memref<!tpu.dma_semaphore, #tpu.memory_space<semaphore_mem>>)
      %mul3A_266 = arith.constant 16 : i32
      %mul3A_267 = arith.muli %scan3A_39, %mul3A_266 : i32
      %add3A_268 = arith.constant 9 : i32
      %add3A_269 = arith.addi %mul3A_267, %add3A_268 : i32
      %slice3A_270 = vector.extract_strided_slice %get3A_45 {offsets = [9], sizes = [1], strides = [1]} : vector<16xi32> to vector<1xi32>
      %squeeze3A_271 = vector.extract %slice3A_270[0] : i32 from vector<1xi32>
      %dma_start3A_272 = arith.constant 0 : i32
      %dma_start3A_273 = tpu.memref_slice %arg10[%add3A_269, %dma_start3A_272] : memref<256x32xf32, #tpu.memory_space<vmem>> -> memref<1x32xf32, #tpu.memory_space<vmem>>
      %dma_start3A_274 = arith.constant 0 : i32
      %dma_start3A_275 = tpu.memref_slice %arg2[%squeeze3A_271, %dma_start3A_274] : memref<2880x32xf32, #tpu.memory_space<hbm>> -> memref<1x32xf32, #tpu.memory_space<hbm>>
      %dma_start3A_276 = arith.constant 0 : i32
      %dma_start3A_277 = tpu.memref_slice %arg10[%add3A_269, %dma_start3A_276] : memref<256x32xf32, #tpu.memory_space<vmem>> -> memref<1x32xf32, #tpu.memory_space<vmem>>
      %dma_start3A_278 = arith.constant 0 : i32
      %dma_start3A_279 = tpu.memref_slice %arg2[%squeeze3A_271, %dma_start3A_278] : memref<2880x32xf32, #tpu.memory_space<hbm>> -> memref<1x32xf32, #tpu.memory_space<hbm>>
      tpu.enqueue_dma source(%dma_start3A_279 : memref<1x32xf32, #tpu.memory_space<hbm>>) target(%dma_start3A_277 : memref<1x32xf32, #tpu.memory_space<vmem>>) target_semaphore(%arg12 : memref<!tpu.dma_semaphore, #tpu.memory_space<semaphore_mem>>)
      %slice3A_280 = vector.extract_strided_slice %get3A_52 {offsets = [9], sizes = [1], strides = [1]} : vector<16xi32> to vector<1xi32>
      %squeeze3A_281 = vector.extract %slice3A_280[0] : i32 from vector<1xi32>
      %dma_start3A_282 = arith.constant 0 : i32
      %dma_start3A_283 = tpu.memref_slice %arg11[%add3A_269, %dma_start3A_282] : memref<256x64xf32, #tpu.memory_space<vmem>> -> memref<1x64xf32, #tpu.memory_space<vmem>>
      %dma_start3A_284 = arith.constant 0 : i32
      %dma_start3A_285 = tpu.memref_slice %arg3[%squeeze3A_281, %dma_start3A_284] : memref<1000000x64xf32, #tpu.memory_space<hbm>> -> memref<1x64xf32, #tpu.memory_space<hbm>>
      %dma_start3A_286 = arith.constant 0 : i32
      %dma_start3A_287 = tpu.memref_slice %arg11[%add3A_269, %dma_start3A_286] : memref<256x64xf32, #tpu.memory_space<vmem>> -> memref<1x64xf32, #tpu.memory_space<vmem>>
      %dma_start3A_288 = arith.constant 0 : i32
      %dma_start3A_289 = tpu.memref_slice %arg3[%squeeze3A_281, %dma_start3A_288] : memref<1000000x64xf32, #tpu.memory_space<hbm>> -> memref<1x64xf32, #tpu.memory_space<hbm>>
      tpu.enqueue_dma source(%dma_start3A_289 : memref<1x64xf32, #tpu.memory_space<hbm>>) target(%dma_start3A_287 : memref<1x64xf32, #tpu.memory_space<vmem>>) target_semaphore(%arg13 : memref<!tpu.dma_semaphore, #tpu.memory_space<semaphore_mem>>)
      %mul3A_290 = arith.constant 16 : i32
      %mul3A_291 = arith.muli %scan3A_39, %mul3A_290 : i32
      %add3A_292 = arith.constant 10 : i32
      %add3A_293 = arith.addi %mul3A_291, %add3A_292 : i32
      %slice3A_294 = vector.extract_strided_slice %get3A_45 {offsets = [10], sizes = [1], strides = [1]} : vector<16xi32> to vector<1xi32>
      %squeeze3A_295 = vector.extract %slice3A_294[0] : i32 from vector<1xi32>
      %dma_start3A_296 = arith.constant 0 : i32
      %dma_start3A_297 = tpu.memref_slice %arg10[%add3A_293, %dma_start3A_296] : memref<256x32xf32, #tpu.memory_space<vmem>> -> memref<1x32xf32, #tpu.memory_space<vmem>>
      %dma_start3A_298 = arith.constant 0 : i32
      %dma_start3A_299 = tpu.memref_slice %arg2[%squeeze3A_295, %dma_start3A_298] : memref<2880x32xf32, #tpu.memory_space<hbm>> -> memref<1x32xf32, #tpu.memory_space<hbm>>
      %dma_start3A_300 = arith.constant 0 : i32
      %dma_start3A_301 = tpu.memref_slice %arg10[%add3A_293, %dma_start3A_300] : memref<256x32xf32, #tpu.memory_space<vmem>> -> memref<1x32xf32, #tpu.memory_space<vmem>>
      %dma_start3A_302 = arith.constant 0 : i32
      %dma_start3A_303 = tpu.memref_slice %arg2[%squeeze3A_295, %dma_start3A_302] : memref<2880x32xf32, #tpu.memory_space<hbm>> -> memref<1x32xf32, #tpu.memory_space<hbm>>
      tpu.enqueue_dma source(%dma_start3A_303 : memref<1x32xf32, #tpu.memory_space<hbm>>) target(%dma_start3A_301 : memref<1x32xf32, #tpu.memory_space<vmem>>) target_semaphore(%arg12 : memref<!tpu.dma_semaphore, #tpu.memory_space<semaphore_mem>>)
      %slice3A_304 = vector.extract_strided_slice %get3A_52 {offsets = [10], sizes = [1], strides = [1]} : vector<16xi32> to vector<1xi32>
      %squeeze3A_305 = vector.extract %slice3A_304[0] : i32 from vector<1xi32>
      %dma_start3A_306 = arith.constant 0 : i32
      %dma_start3A_307 = tpu.memref_slice %arg11[%add3A_293, %dma_start3A_306] : memref<256x64xf32, #tpu.memory_space<vmem>> -> memref<1x64xf32, #tpu.memory_space<vmem>>
      %dma_start3A_308 = arith.constant 0 : i32
      %dma_start3A_309 = tpu.memref_slice %arg3[%squeeze3A_305, %dma_start3A_308] : memref<1000000x64xf32, #tpu.memory_space<hbm>> -> memref<1x64xf32, #tpu.memory_space<hbm>>
      %dma_start3A_310 = arith.constant 0 : i32
      %dma_start3A_311 = tpu.memref_slice %arg11[%add3A_293, %dma_start3A_310] : memref<256x64xf32, #tpu.memory_space<vmem>> -> memref<1x64xf32, #tpu.memory_space<vmem>>
      %dma_start3A_312 = arith.constant 0 : i32
      %dma_start3A_313 = tpu.memref_slice %arg3[%squeeze3A_305, %dma_start3A_312] : memref<1000000x64xf32, #tpu.memory_space<hbm>> -> memref<1x64xf32, #tpu.memory_space<hbm>>
      tpu.enqueue_dma source(%dma_start3A_313 : memref<1x64xf32, #tpu.memory_space<hbm>>) target(%dma_start3A_311 : memref<1x64xf32, #tpu.memory_space<vmem>>) target_semaphore(%arg13 : memref<!tpu.dma_semaphore, #tpu.memory_space<semaphore_mem>>)
      %mul3A_314 = arith.constant 16 : i32
      %mul3A_315 = arith.muli %scan3A_39, %mul3A_314 : i32
      %add3A_316 = arith.constant 11 : i32
      %add3A_317 = arith.addi %mul3A_315, %add3A_316 : i32
      %slice3A_318 = vector.extract_strided_slice %get3A_45 {offsets = [11], sizes = [1], strides = [1]} : vector<16xi32> to vector<1xi32>
      %squeeze3A_319 = vector.extract %slice3A_318[0] : i32 from vector<1xi32>
      %dma_start3A_320 = arith.constant 0 : i32
      %dma_start3A_321 = tpu.memref_slice %arg10[%add3A_317, %dma_start3A_320] : memref<256x32xf32, #tpu.memory_space<vmem>> -> memref<1x32xf32, #tpu.memory_space<vmem>>
      %dma_start3A_322 = arith.constant 0 : i32
      %dma_start3A_323 = tpu.memref_slice %arg2[%squeeze3A_319, %dma_start3A_322] : memref<2880x32xf32, #tpu.memory_space<hbm>> -> memref<1x32xf32, #tpu.memory_space<hbm>>
      %dma_start3A_324 = arith.constant 0 : i32
      %dma_start3A_325 = tpu.memref_slice %arg10[%add3A_317, %dma_start3A_324] : memref<256x32xf32, #tpu.memory_space<vmem>> -> memref<1x32xf32, #tpu.memory_space<vmem>>
      %dma_start3A_326 = arith.constant 0 : i32
      %dma_start3A_327 = tpu.memref_slice %arg2[%squeeze3A_319, %dma_start3A_326] : memref<2880x32xf32, #tpu.memory_space<hbm>> -> memref<1x32xf32, #tpu.memory_space<hbm>>
      tpu.enqueue_dma source(%dma_start3A_327 : memref<1x32xf32, #tpu.memory_space<hbm>>) target(%dma_start3A_325 : memref<1x32xf32, #tpu.memory_space<vmem>>) target_semaphore(%arg12 : memref<!tpu.dma_semaphore, #tpu.memory_space<semaphore_mem>>)
      %slice3A_328 = vector.extract_strided_slice %get3A_52 {offsets = [11], sizes = [1], strides = [1]} : vector<16xi32> to vector<1xi32>
      %squeeze3A_329 = vector.extract %slice3A_328[0] : i32 from vector<1xi32>
      %dma_start3A_330 = arith.constant 0 : i32
      %dma_start3A_331 = tpu.memref_slice %arg11[%add3A_317, %dma_start3A_330] : memref<256x64xf32, #tpu.memory_space<vmem>> -> memref<1x64xf32, #tpu.memory_space<vmem>>
      %dma_start3A_332 = arith.constant 0 : i32
      %dma_start3A_333 = tpu.memref_slice %arg3[%squeeze3A_329, %dma_start3A_332] : memref<1000000x64xf32, #tpu.memory_space<hbm>> -> memref<1x64xf32, #tpu.memory_space<hbm>>
      %dma_start3A_334 = arith.constant 0 : i32
      %dma_start3A_335 = tpu.memref_slice %arg11[%add3A_317, %dma_start3A_334] : memref<256x64xf32, #tpu.memory_space<vmem>> -> memref<1x64xf32, #tpu.memory_space<vmem>>
      %dma_start3A_336 = arith.constant 0 : i32
      %dma_start3A_337 = tpu.memref_slice %arg3[%squeeze3A_329, %dma_start3A_336] : memref<1000000x64xf32, #tpu.memory_space<hbm>> -> memref<1x64xf32, #tpu.memory_space<hbm>>
      tpu.enqueue_dma source(%dma_start3A_337 : memref<1x64xf32, #tpu.memory_space<hbm>>) target(%dma_start3A_335 : memref<1x64xf32, #tpu.memory_space<vmem>>) target_semaphore(%arg13 : memref<!tpu.dma_semaphore, #tpu.memory_space<semaphore_mem>>)
      %mul3A_338 = arith.constant 16 : i32
      %mul3A_339 = arith.muli %scan3A_39, %mul3A_338 : i32
      %add3A_340 = arith.constant 12 : i32
      %add3A_341 = arith.addi %mul3A_339, %add3A_340 : i32
      %slice3A_342 = vector.extract_strided_slice %get3A_45 {offsets = [12], sizes = [1], strides = [1]} : vector<16xi32> to vector<1xi32>
      %squeeze3A_343 = vector.extract %slice3A_342[0] : i32 from vector<1xi32>
      %dma_start3A_344 = arith.constant 0 : i32
      %dma_start3A_345 = tpu.memref_slice %arg10[%add3A_341, %dma_start3A_344] : memref<256x32xf32, #tpu.memory_space<vmem>> -> memref<1x32xf32, #tpu.memory_space<vmem>>
      %dma_start3A_346 = arith.constant 0 : i32
      %dma_start3A_347 = tpu.memref_slice %arg2[%squeeze3A_343, %dma_start3A_346] : memref<2880x32xf32, #tpu.memory_space<hbm>> -> memref<1x32xf32, #tpu.memory_space<hbm>>
      %dma_start3A_348 = arith.constant 0 : i32
      %dma_start3A_349 = tpu.memref_slice %arg10[%add3A_341, %dma_start3A_348] : memref<256x32xf32, #tpu.memory_space<vmem>> -> memref<1x32xf32, #tpu.memory_space<vmem>>
      %dma_start3A_350 = arith.constant 0 : i32
      %dma_start3A_351 = tpu.memref_slice %arg2[%squeeze3A_343, %dma_start3A_350] : memref<2880x32xf32, #tpu.memory_space<hbm>> -> memref<1x32xf32, #tpu.memory_space<hbm>>
      tpu.enqueue_dma source(%dma_start3A_351 : memref<1x32xf32, #tpu.memory_space<hbm>>) target(%dma_start3A_349 : memref<1x32xf32, #tpu.memory_space<vmem>>) target_semaphore(%arg12 : memref<!tpu.dma_semaphore, #tpu.memory_space<semaphore_mem>>)
      %slice3A_352 = vector.extract_strided_slice %get3A_52 {offsets = [12], sizes = [1], strides = [1]} : vector<16xi32> to vector<1xi32>
      %squeeze3A_353 = vector.extract %slice3A_352[0] : i32 from vector<1xi32>
      %dma_start3A_354 = arith.constant 0 : i32
      %dma_start3A_355 = tpu.memref_slice %arg11[%add3A_341, %dma_start3A_354] : memref<256x64xf32, #tpu.memory_space<vmem>> -> memref<1x64xf32, #tpu.memory_space<vmem>>
      %dma_start3A_356 = arith.constant 0 : i32
      %dma_start3A_357 = tpu.memref_slice %arg3[%squeeze3A_353, %dma_start3A_356] : memref<1000000x64xf32, #tpu.memory_space<hbm>> -> memref<1x64xf32, #tpu.memory_space<hbm>>
      %dma_start3A_358 = arith.constant 0 : i32
      %dma_start3A_359 = tpu.memref_slice %arg11[%add3A_341, %dma_start3A_358] : memref<256x64xf32, #tpu.memory_space<vmem>> -> memref<1x64xf32, #tpu.memory_space<vmem>>
      %dma_start3A_360 = arith.constant 0 : i32
      %dma_start3A_361 = tpu.memref_slice %arg3[%squeeze3A_353, %dma_start3A_360] : memref<1000000x64xf32, #tpu.memory_space<hbm>> -> memref<1x64xf32, #tpu.memory_space<hbm>>
      tpu.enqueue_dma source(%dma_start3A_361 : memref<1x64xf32, #tpu.memory_space<hbm>>) target(%dma_start3A_359 : memref<1x64xf32, #tpu.memory_space<vmem>>) target_semaphore(%arg13 : memref<!tpu.dma_semaphore, #tpu.memory_space<semaphore_mem>>)
      %mul3A_362 = arith.constant 16 : i32
      %mul3A_363 = arith.muli %scan3A_39, %mul3A_362 : i32
      %add3A_364 = arith.constant 13 : i32
      %add3A_365 = arith.addi %mul3A_363, %add3A_364 : i32
      %slice3A_366 = vector.extract_strided_slice %get3A_45 {offsets = [13], sizes = [1], strides = [1]} : vector<16xi32> to vector<1xi32>
      %squeeze3A_367 = vector.extract %slice3A_366[0] : i32 from vector<1xi32>
      %dma_start3A_368 = arith.constant 0 : i32
      %dma_start3A_369 = tpu.memref_slice %arg10[%add3A_365, %dma_start3A_368] : memref<256x32xf32, #tpu.memory_space<vmem>> -> memref<1x32xf32, #tpu.memory_space<vmem>>
      %dma_start3A_370 = arith.constant 0 : i32
      %dma_start3A_371 = tpu.memref_slice %arg2[%squeeze3A_367, %dma_start3A_370] : memref<2880x32xf32, #tpu.memory_space<hbm>> -> memref<1x32xf32, #tpu.memory_space<hbm>>
      %dma_start3A_372 = arith.constant 0 : i32
      %dma_start3A_373 = tpu.memref_slice %arg10[%add3A_365, %dma_start3A_372] : memref<256x32xf32, #tpu.memory_space<vmem>> -> memref<1x32xf32, #tpu.memory_space<vmem>>
      %dma_start3A_374 = arith.constant 0 : i32
      %dma_start3A_375 = tpu.memref_slice %arg2[%squeeze3A_367, %dma_start3A_374] : memref<2880x32xf32, #tpu.memory_space<hbm>> -> memref<1x32xf32, #tpu.memory_space<hbm>>
      tpu.enqueue_dma source(%dma_start3A_375 : memref<1x32xf32, #tpu.memory_space<hbm>>) target(%dma_start3A_373 : memref<1x32xf32, #tpu.memory_space<vmem>>) target_semaphore(%arg12 : memref<!tpu.dma_semaphore, #tpu.memory_space<semaphore_mem>>)
      %slice3A_376 = vector.extract_strided_slice %get3A_52 {offsets = [13], sizes = [1], strides = [1]} : vector<16xi32> to vector<1xi32>
      %squeeze3A_377 = vector.extract %slice3A_376[0] : i32 from vector<1xi32>
      %dma_start3A_378 = arith.constant 0 : i32
      %dma_start3A_379 = tpu.memref_slice %arg11[%add3A_365, %dma_start3A_378] : memref<256x64xf32, #tpu.memory_space<vmem>> -> memref<1x64xf32, #tpu.memory_space<vmem>>
      %dma_start3A_380 = arith.constant 0 : i32
      %dma_start3A_381 = tpu.memref_slice %arg3[%squeeze3A_377, %dma_start3A_380] : memref<1000000x64xf32, #tpu.memory_space<hbm>> -> memref<1x64xf32, #tpu.memory_space<hbm>>
      %dma_start3A_382 = arith.constant 0 : i32
      %dma_start3A_383 = tpu.memref_slice %arg11[%add3A_365, %dma_start3A_382] : memref<256x64xf32, #tpu.memory_space<vmem>> -> memref<1x64xf32, #tpu.memory_space<vmem>>
      %dma_start3A_384 = arith.constant 0 : i32
      %dma_start3A_385 = tpu.memref_slice %arg3[%squeeze3A_377, %dma_start3A_384] : memref<1000000x64xf32, #tpu.memory_space<hbm>> -> memref<1x64xf32, #tpu.memory_space<hbm>>
      tpu.enqueue_dma source(%dma_start3A_385 : memref<1x64xf32, #tpu.memory_space<hbm>>) target(%dma_start3A_383 : memref<1x64xf32, #tpu.memory_space<vmem>>) target_semaphore(%arg13 : memref<!tpu.dma_semaphore, #tpu.memory_space<semaphore_mem>>)
      %mul3A_386 = arith.constant 16 : i32
      %mul3A_387 = arith.muli %scan3A_39, %mul3A_386 : i32
      %add3A_388 = arith.constant 14 : i32
      %add3A_389 = arith.addi %mul3A_387, %add3A_388 : i32
      %slice3A_390 = vector.extract_strided_slice %get3A_45 {offsets = [14], sizes = [1], strides = [1]} : vector<16xi32> to vector<1xi32>
      %squeeze3A_391 = vector.extract %slice3A_390[0] : i32 from vector<1xi32>
      %dma_start3A_392 = arith.constant 0 : i32
      %dma_start3A_393 = tpu.memref_slice %arg10[%add3A_389, %dma_start3A_392] : memref<256x32xf32, #tpu.memory_space<vmem>> -> memref<1x32xf32, #tpu.memory_space<vmem>>
      %dma_start3A_394 = arith.constant 0 : i32
      %dma_start3A_395 = tpu.memref_slice %arg2[%squeeze3A_391, %dma_start3A_394] : memref<2880x32xf32, #tpu.memory_space<hbm>> -> memref<1x32xf32, #tpu.memory_space<hbm>>
      %dma_start3A_396 = arith.constant 0 : i32
      %dma_start3A_397 = tpu.memref_slice %arg10[%add3A_389, %dma_start3A_396] : memref<256x32xf32, #tpu.memory_space<vmem>> -> memref<1x32xf32, #tpu.memory_space<vmem>>
      %dma_start3A_398 = arith.constant 0 : i32
      %dma_start3A_399 = tpu.memref_slice %arg2[%squeeze3A_391, %dma_start3A_398] : memref<2880x32xf32, #tpu.memory_space<hbm>> -> memref<1x32xf32, #tpu.memory_space<hbm>>
      tpu.enqueue_dma source(%dma_start3A_399 : memref<1x32xf32, #tpu.memory_space<hbm>>) target(%dma_start3A_397 : memref<1x32xf32, #tpu.memory_space<vmem>>) target_semaphore(%arg12 : memref<!tpu.dma_semaphore, #tpu.memory_space<semaphore_mem>>)
      %slice3A_400 = vector.extract_strided_slice %get3A_52 {offsets = [14], sizes = [1], strides = [1]} : vector<16xi32> to vector<1xi32>
      %squeeze3A_401 = vector.extract %slice3A_400[0] : i32 from vector<1xi32>
      %dma_start3A_402 = arith.constant 0 : i32
      %dma_start3A_403 = tpu.memref_slice %arg11[%add3A_389, %dma_start3A_402] : memref<256x64xf32, #tpu.memory_space<vmem>> -> memref<1x64xf32, #tpu.memory_space<vmem>>
      %dma_start3A_404 = arith.constant 0 : i32
      %dma_start3A_405 = tpu.memref_slice %arg3[%squeeze3A_401, %dma_start3A_404] : memref<1000000x64xf32, #tpu.memory_space<hbm>> -> memref<1x64xf32, #tpu.memory_space<hbm>>
      %dma_start3A_406 = arith.constant 0 : i32
      %dma_start3A_407 = tpu.memref_slice %arg11[%add3A_389, %dma_start3A_406] : memref<256x64xf32, #tpu.memory_space<vmem>> -> memref<1x64xf32, #tpu.memory_space<vmem>>
      %dma_start3A_408 = arith.constant 0 : i32
      %dma_start3A_409 = tpu.memref_slice %arg3[%squeeze3A_401, %dma_start3A_408] : memref<1000000x64xf32, #tpu.memory_space<hbm>> -> memref<1x64xf32, #tpu.memory_space<hbm>>
      tpu.enqueue_dma source(%dma_start3A_409 : memref<1x64xf32, #tpu.memory_space<hbm>>) target(%dma_start3A_407 : memref<1x64xf32, #tpu.memory_space<vmem>>) target_semaphore(%arg13 : memref<!tpu.dma_semaphore, #tpu.memory_space<semaphore_mem>>)
      %mul3A_410 = arith.constant 16 : i32
      %mul3A_411 = arith.muli %scan3A_39, %mul3A_410 : i32
      %add3A_412 = arith.constant 15 : i32
      %add3A_413 = arith.addi %mul3A_411, %add3A_412 : i32
      %slice3A_414 = vector.extract_strided_slice %get3A_45 {offsets = [15], sizes = [1], strides = [1]} : vector<16xi32> to vector<1xi32>
      %squeeze3A_415 = vector.extract %slice3A_414[0] : i32 from vector<1xi32>
      %dma_start3A_416 = arith.constant 0 : i32
      %dma_start3A_417 = tpu.memref_slice %arg10[%add3A_413, %dma_start3A_416] : memref<256x32xf32, #tpu.memory_space<vmem>> -> memref<1x32xf32, #tpu.memory_space<vmem>>
      %dma_start3A_418 = arith.constant 0 : i32
      %dma_start3A_419 = tpu.memref_slice %arg2[%squeeze3A_415, %dma_start3A_418] : memref<2880x32xf32, #tpu.memory_space<hbm>> -> memref<1x32xf32, #tpu.memory_space<hbm>>
      %dma_start3A_420 = arith.constant 0 : i32
      %dma_start3A_421 = tpu.memref_slice %arg10[%add3A_413, %dma_start3A_420] : memref<256x32xf32, #tpu.memory_space<vmem>> -> memref<1x32xf32, #tpu.memory_space<vmem>>
      %dma_start3A_422 = arith.constant 0 : i32
      %dma_start3A_423 = tpu.memref_slice %arg2[%squeeze3A_415, %dma_start3A_422] : memref<2880x32xf32, #tpu.memory_space<hbm>> -> memref<1x32xf32, #tpu.memory_space<hbm>>
      tpu.enqueue_dma source(%dma_start3A_423 : memref<1x32xf32, #tpu.memory_space<hbm>>) target(%dma_start3A_421 : memref<1x32xf32, #tpu.memory_space<vmem>>) target_semaphore(%arg12 : memref<!tpu.dma_semaphore, #tpu.memory_space<semaphore_mem>>)
      %slice3A_424 = vector.extract_strided_slice %get3A_52 {offsets = [15], sizes = [1], strides = [1]} : vector<16xi32> to vector<1xi32>
      %squeeze3A_425 = vector.extract %slice3A_424[0] : i32 from vector<1xi32>
      %dma_start3A_426 = arith.constant 0 : i32
      %dma_start3A_427 = tpu.memref_slice %arg11[%add3A_413, %dma_start3A_426] : memref<256x64xf32, #tpu.memory_space<vmem>> -> memref<1x64xf32, #tpu.memory_space<vmem>>
      %dma_start3A_428 = arith.constant 0 : i32
      %dma_start3A_429 = tpu.memref_slice %arg3[%squeeze3A_425, %dma_start3A_428] : memref<1000000x64xf32, #tpu.memory_space<hbm>> -> memref<1x64xf32, #tpu.memory_space<hbm>>
      %dma_start3A_430 = arith.constant 0 : i32
      %dma_start3A_431 = tpu.memref_slice %arg11[%add3A_413, %dma_start3A_430] : memref<256x64xf32, #tpu.memory_space<vmem>> -> memref<1x64xf32, #tpu.memory_space<vmem>>
      %dma_start3A_432 = arith.constant 0 : i32
      %dma_start3A_433 = tpu.memref_slice %arg3[%squeeze3A_425, %dma_start3A_432] : memref<1000000x64xf32, #tpu.memory_space<hbm>> -> memref<1x64xf32, #tpu.memory_space<hbm>>
      tpu.enqueue_dma source(%dma_start3A_433 : memref<1x64xf32, #tpu.memory_space<hbm>>) target(%dma_start3A_431 : memref<1x64xf32, #tpu.memory_space<vmem>>) target_semaphore(%arg13 : memref<!tpu.dma_semaphore, #tpu.memory_space<semaphore_mem>>)
    }
    %scan3A_6 = arith.constant 16 : i32
    %dma_wait3A = arith.constant 0 : i32
    %dma_wait3A_7 = arith.constant 0 : i32
    %dma_wait3A_8 = tpu.memref_slice %arg2[%dma_wait3A, %dma_wait3A_7] : memref<2880x32xf32, #tpu.memory_space<hbm>> -> memref<256x32xf32, #tpu.memory_space<hbm>>
    %dma_wait3A_9 = arith.constant 0 : i32
    %dma_wait3A_10 = arith.constant 0 : i32
    %dma_wait3A_11 = tpu.memref_slice %arg2[%dma_wait3A_9, %dma_wait3A_10] : memref<2880x32xf32, #tpu.memory_space<hbm>> -> memref<256x32xf32, #tpu.memory_space<hbm>>
    tpu.wait_dma2 semaphore(%arg12 : memref<!tpu.dma_semaphore, #tpu.memory_space<semaphore_mem>>) src(%dma_wait3A_11 : memref<256x32xf32, #tpu.memory_space<hbm>>) dst(%arg10 : memref<256x32xf32, #tpu.memory_space<vmem>>)
    %dma_wait3A_12 = arith.constant 0 : i32
    %dma_wait3A_13 = arith.constant 0 : i32
    %dma_wait3A_14 = tpu.memref_slice %arg3[%dma_wait3A_12, %dma_wait3A_13] : memref<1000000x64xf32, #tpu.memory_space<hbm>> -> memref<256x64xf32, #tpu.memory_space<hbm>>
    %dma_wait3A_15 = arith.constant 0 : i32
    %dma_wait3A_16 = arith.constant 0 : i32
    %dma_wait3A_17 = tpu.memref_slice %arg3[%dma_wait3A_15, %dma_wait3A_16] : memref<1000000x64xf32, #tpu.memory_space<hbm>> -> memref<256x64xf32, #tpu.memory_space<hbm>>
    tpu.wait_dma2 semaphore(%arg13 : memref<!tpu.dma_semaphore, #tpu.memory_space<semaphore_mem>>) src(%dma_wait3A_17 : memref<256x64xf32, #tpu.memory_space<hbm>>) dst(%arg11 : memref<256x64xf32, #tpu.memory_space<vmem>>)
    %add3A_18 = arith.constant 0 : i32
    %add3A_19 = arith.addi %mul3A_2, %add3A_18 : i32
    "tpu.region"() ({
      %run_scoped3A = tpu.sem_alloc : memref<!tpu.dma_semaphore, #tpu.memory_space<semaphore_mem>>
      %dma_start3A = arith.constant 0 : i32
      %dma_start3A_39 = tpu.memref_slice %arg6[%add3A_19, %dma_start3A] : memref<16384x32xf32, #tpu.memory_space<hbm>> -> memref<256x32xf32, #tpu.memory_space<hbm>>
      %dma_start3A_40 = arith.constant 0 : i32
      %dma_start3A_41 = tpu.memref_slice %arg6[%add3A_19, %dma_start3A_40] : memref<16384x32xf32, #tpu.memory_space<hbm>> -> memref<256x32xf32, #tpu.memory_space<hbm>>
      tpu.enqueue_dma source(%arg10 : memref<256x32xf32, #tpu.memory_space<vmem>>) target(%dma_start3A_41 : memref<256x32xf32, #tpu.memory_space<hbm>>) target_semaphore(%run_scoped3A : memref<!tpu.dma_semaphore, #tpu.memory_space<semaphore_mem>>)
      %dma_wait3A_42 = arith.constant 0 : i32
      %dma_wait3A_43 = tpu.memref_slice %arg6[%add3A_19, %dma_wait3A_42] : memref<16384x32xf32, #tpu.memory_space<hbm>> -> memref<256x32xf32, #tpu.memory_space<hbm>>
      %dma_wait3A_44 = arith.constant 0 : i32
      %dma_wait3A_45 = tpu.memref_slice %arg6[%add3A_19, %dma_wait3A_44] : memref<16384x32xf32, #tpu.memory_space<hbm>> -> memref<256x32xf32, #tpu.memory_space<hbm>>
      tpu.wait_dma2 semaphore(%run_scoped3A : memref<!tpu.dma_semaphore, #tpu.memory_space<semaphore_mem>>) src(%arg10 : memref<256x32xf32, #tpu.memory_space<vmem>>) dst(%dma_wait3A_45 : memref<256x32xf32, #tpu.memory_space<hbm>>)
      tpu.yield
    }) : () -> ()
    "tpu.region"() ({
      %run_scoped3A = tpu.sem_alloc : memref<!tpu.dma_semaphore, #tpu.memory_space<semaphore_mem>>
      %dma_start3A = arith.constant 0 : i32
      %dma_start3A_39 = tpu.memref_slice %arg7[%add3A_19, %dma_start3A] : memref<16384x64xf32, #tpu.memory_space<hbm>> -> memref<256x64xf32, #tpu.memory_space<hbm>>
      %dma_start3A_40 = arith.constant 0 : i32
      %dma_start3A_41 = tpu.memref_slice %arg7[%add3A_19, %dma_start3A_40] : memref<16384x64xf32, #tpu.memory_space<hbm>> -> memref<256x64xf32, #tpu.memory_space<hbm>>
      tpu.enqueue_dma source(%arg11 : memref<256x64xf32, #tpu.memory_space<vmem>>) target(%dma_start3A_41 : memref<256x64xf32, #tpu.memory_space<hbm>>) target_semaphore(%run_scoped3A : memref<!tpu.dma_semaphore, #tpu.memory_space<semaphore_mem>>)
      %dma_wait3A_42 = arith.constant 0 : i32
      %dma_wait3A_43 = tpu.memref_slice %arg7[%add3A_19, %dma_wait3A_42] : memref<16384x64xf32, #tpu.memory_space<hbm>> -> memref<256x64xf32, #tpu.memory_space<hbm>>
      %dma_wait3A_44 = arith.constant 0 : i32
      %dma_wait3A_45 = tpu.memref_slice %arg7[%add3A_19, %dma_wait3A_44] : memref<16384x64xf32, #tpu.memory_space<hbm>> -> memref<256x64xf32, #tpu.memory_space<hbm>>
      tpu.wait_dma2 semaphore(%run_scoped3A : memref<!tpu.dma_semaphore, #tpu.memory_space<semaphore_mem>>) src(%arg11 : memref<256x64xf32, #tpu.memory_space<vmem>>) dst(%dma_wait3A_45 : memref<256x64xf32, #tpu.memory_space<hbm>>)
      tpu.yield
    }) : () -> ()
    %scan3A_20 = arith.constant 0 : i32
    %scan3A_21 = arith.constant 16 : i32
    %scan3A_22 = arith.addi %scan3A_20, %scan3A_21 : i32
    %scan3A_23 = arith.constant 1 : i32
    scf.for %scan3A_39 = %scan3A_20 to %scan3A_22 step %scan3A_23  : i32 {
      %mul3A_40 = arith.constant 16 : i32
      %mul3A_41 = arith.muli %scan3A_39, %mul3A_40 : i32
      %add3A_42 = arith.constant 256 : i32
      %add3A_43 = arith.addi %add3A_42, %mul3A_41 : i32
      %get3A = arith.index_cast %add3A_43 : i32 to index
      %get3A_44 = tpu.vector_load %arg8[%get3A] {strides = array<i32>} : memref<512xi32, #tpu.memory_space<vmem>>, vector<16xi32>,
      %get3A_45 = vector.shape_cast %get3A_44 : vector<16xi32> to vector<16xi32>
      %mul3A_46 = arith.constant 16 : i32
      %mul3A_47 = arith.muli %scan3A_39, %mul3A_46 : i32
      %add3A_48 = arith.constant 256 : i32
      %add3A_49 = arith.addi %add3A_48, %mul3A_47 : i32
      %get3A_50 = arith.index_cast %add3A_49 : i32 to index
      %get3A_51 = tpu.vector_load %arg9[%get3A_50] {strides = array<i32>} : memref<512xi32, #tpu.memory_space<vmem>>, vector<16xi32>,
      %get3A_52 = vector.shape_cast %get3A_51 : vector<16xi32> to vector<16xi32>
      %mul3A_53 = arith.constant 16 : i32
      %mul3A_54 = arith.muli %scan3A_39, %mul3A_53 : i32
      %add3A_55 = arith.constant 0 : i32
      %add3A_56 = arith.addi %mul3A_54, %add3A_55 : i32
      %slice3A = vector.extract_strided_slice %get3A_45 {offsets = [0], sizes = [1], strides = [1]} : vector<16xi32> to vector<1xi32>
      %squeeze3A = vector.extract %slice3A[0] : i32 from vector<1xi32>
      %dma_start3A = arith.constant 0 : i32
      %dma_start3A_57 = tpu.memref_slice %arg10[%add3A_56, %dma_start3A] : memref<256x32xf32, #tpu.memory_space<vmem>> -> memref<1x32xf32, #tpu.memory_space<vmem>>
      %dma_start3A_58 = arith.constant 0 : i32
      %dma_start3A_59 = tpu.memref_slice %arg2[%squeeze3A, %dma_start3A_58] : memref<2880x32xf32, #tpu.memory_space<hbm>> -> memref<1x32xf32, #tpu.memory_space<hbm>>
      %dma_start3A_60 = arith.constant 0 : i32
      %dma_start3A_61 = tpu.memref_slice %arg10[%add3A_56, %dma_start3A_60] : memref<256x32xf32, #tpu.memory_space<vmem>> -> memref<1x32xf32, #tpu.memory_space<vmem>>
      %dma_start3A_62 = arith.constant 0 : i32
      %dma_start3A_63 = tpu.memref_slice %arg2[%squeeze3A, %dma_start3A_62] : memref<2880x32xf32, #tpu.memory_space<hbm>> -> memref<1x32xf32, #tpu.memory_space<hbm>>
      tpu.enqueue_dma source(%dma_start3A_63 : memref<1x32xf32, #tpu.memory_space<hbm>>) target(%dma_start3A_61 : memref<1x32xf32, #tpu.memory_space<vmem>>) target_semaphore(%arg12 : memref<!tpu.dma_semaphore, #tpu.memory_space<semaphore_mem>>)
      %slice3A_64 = vector.extract_strided_slice %get3A_52 {offsets = [0], sizes = [1], strides = [1]} : vector<16xi32> to vector<1xi32>
      %squeeze3A_65 = vector.extract %slice3A_64[0] : i32 from vector<1xi32>
      %dma_start3A_66 = arith.constant 0 : i32
      %dma_start3A_67 = tpu.memref_slice %arg11[%add3A_56, %dma_start3A_66] : memref<256x64xf32, #tpu.memory_space<vmem>> -> memref<1x64xf32, #tpu.memory_space<vmem>>
      %dma_start3A_68 = arith.constant 0 : i32
      %dma_start3A_69 = tpu.memref_slice %arg3[%squeeze3A_65, %dma_start3A_68] : memref<1000000x64xf32, #tpu.memory_space<hbm>> -> memref<1x64xf32, #tpu.memory_space<hbm>>
      %dma_start3A_70 = arith.constant 0 : i32
      %dma_start3A_71 = tpu.memref_slice %arg11[%add3A_56, %dma_start3A_70] : memref<256x64xf32, #tpu.memory_space<vmem>> -> memref<1x64xf32, #tpu.memory_space<vmem>>
      %dma_start3A_72 = arith.constant 0 : i32
      %dma_start3A_73 = tpu.memref_slice %arg3[%squeeze3A_65, %dma_start3A_72] : memref<1000000x64xf32, #tpu.memory_space<hbm>> -> memref<1x64xf32, #tpu.memory_space<hbm>>
      tpu.enqueue_dma source(%dma_start3A_73 : memref<1x64xf32, #tpu.memory_space<hbm>>) target(%dma_start3A_71 : memref<1x64xf32, #tpu.memory_space<vmem>>) target_semaphore(%arg13 : memref<!tpu.dma_semaphore, #tpu.memory_space<semaphore_mem>>)
      %mul3A_74 = arith.constant 16 : i32
      %mul3A_75 = arith.muli %scan3A_39, %mul3A_74 : i32
      %add3A_76 = arith.constant 1 : i32
      %add3A_77 = arith.addi %mul3A_75, %add3A_76 : i32
      %slice3A_78 = vector.extract_strided_slice %get3A_45 {offsets = [1], sizes = [1], strides = [1]} : vector<16xi32> to vector<1xi32>
      %squeeze3A_79 = vector.extract %slice3A_78[0] : i32 from vector<1xi32>
      %dma_start3A_80 = arith.constant 0 : i32
      %dma_start3A_81 = tpu.memref_slice %arg10[%add3A_77, %dma_start3A_80] : memref<256x32xf32, #tpu.memory_space<vmem>> -> memref<1x32xf32, #tpu.memory_space<vmem>>
      %dma_start3A_82 = arith.constant 0 : i32
      %dma_start3A_83 = tpu.memref_slice %arg2[%squeeze3A_79, %dma_start3A_82] : memref<2880x32xf32, #tpu.memory_space<hbm>> -> memref<1x32xf32, #tpu.memory_space<hbm>>
      %dma_start3A_84 = arith.constant 0 : i32
      %dma_start3A_85 = tpu.memref_slice %arg10[%add3A_77, %dma_start3A_84] : memref<256x32xf32, #tpu.memory_space<vmem>> -> memref<1x32xf32, #tpu.memory_space<vmem>>
      %dma_start3A_86 = arith.constant 0 : i32
      %dma_start3A_87 = tpu.memref_slice %arg2[%squeeze3A_79, %dma_start3A_86] : memref<2880x32xf32, #tpu.memory_space<hbm>> -> memref<1x32xf32, #tpu.memory_space<hbm>>
      tpu.enqueue_dma source(%dma_start3A_87 : memref<1x32xf32, #tpu.memory_space<hbm>>) target(%dma_start3A_85 : memref<1x32xf32, #tpu.memory_space<vmem>>) target_semaphore(%arg12 : memref<!tpu.dma_semaphore, #tpu.memory_space<semaphore_mem>>)
      %slice3A_88 = vector.extract_strided_slice %get3A_52 {offsets = [1], sizes = [1], strides = [1]} : vector<16xi32> to vector<1xi32>
      %squeeze3A_89 = vector.extract %slice3A_88[0] : i32 from vector<1xi32>
      %dma_start3A_90 = arith.constant 0 : i32
      %dma_start3A_91 = tpu.memref_slice %arg11[%add3A_77, %dma_start3A_90] : memref<256x64xf32, #tpu.memory_space<vmem>> -> memref<1x64xf32, #tpu.memory_space<vmem>>
      %dma_start3A_92 = arith.constant 0 : i32
      %dma_start3A_93 = tpu.memref_slice %arg3[%squeeze3A_89, %dma_start3A_92] : memref<1000000x64xf32, #tpu.memory_space<hbm>> -> memref<1x64xf32, #tpu.memory_space<hbm>>
      %dma_start3A_94 = arith.constant 0 : i32
      %dma_start3A_95 = tpu.memref_slice %arg11[%add3A_77, %dma_start3A_94] : memref<256x64xf32, #tpu.memory_space<vmem>> -> memref<1x64xf32, #tpu.memory_space<vmem>>
      %dma_start3A_96 = arith.constant 0 : i32
      %dma_start3A_97 = tpu.memref_slice %arg3[%squeeze3A_89, %dma_start3A_96] : memref<1000000x64xf32, #tpu.memory_space<hbm>> -> memref<1x64xf32, #tpu.memory_space<hbm>>
      tpu.enqueue_dma source(%dma_start3A_97 : memref<1x64xf32, #tpu.memory_space<hbm>>) target(%dma_start3A_95 : memref<1x64xf32, #tpu.memory_space<vmem>>) target_semaphore(%arg13 : memref<!tpu.dma_semaphore, #tpu.memory_space<semaphore_mem>>)
      %mul3A_98 = arith.constant 16 : i32
      %mul3A_99 = arith.muli %scan3A_39, %mul3A_98 : i32
      %add3A_100 = arith.constant 2 : i32
      %add3A_101 = arith.addi %mul3A_99, %add3A_100 : i32
      %slice3A_102 = vector.extract_strided_slice %get3A_45 {offsets = [2], sizes = [1], strides = [1]} : vector<16xi32> to vector<1xi32>
      %squeeze3A_103 = vector.extract %slice3A_102[0] : i32 from vector<1xi32>
      %dma_start3A_104 = arith.constant 0 : i32
      %dma_start3A_105 = tpu.memref_slice %arg10[%add3A_101, %dma_start3A_104] : memref<256x32xf32, #tpu.memory_space<vmem>> -> memref<1x32xf32, #tpu.memory_space<vmem>>
      %dma_start3A_106 = arith.constant 0 : i32
      %dma_start3A_107 = tpu.memref_slice %arg2[%squeeze3A_103, %dma_start3A_106] : memref<2880x32xf32, #tpu.memory_space<hbm>> -> memref<1x32xf32, #tpu.memory_space<hbm>>
      %dma_start3A_108 = arith.constant 0 : i32
      %dma_start3A_109 = tpu.memref_slice %arg10[%add3A_101, %dma_start3A_108] : memref<256x32xf32, #tpu.memory_space<vmem>> -> memref<1x32xf32, #tpu.memory_space<vmem>>
      %dma_start3A_110 = arith.constant 0 : i32
      %dma_start3A_111 = tpu.memref_slice %arg2[%squeeze3A_103, %dma_start3A_110] : memref<2880x32xf32, #tpu.memory_space<hbm>> -> memref<1x32xf32, #tpu.memory_space<hbm>>
      tpu.enqueue_dma source(%dma_start3A_111 : memref<1x32xf32, #tpu.memory_space<hbm>>) target(%dma_start3A_109 : memref<1x32xf32, #tpu.memory_space<vmem>>) target_semaphore(%arg12 : memref<!tpu.dma_semaphore, #tpu.memory_space<semaphore_mem>>)
      %slice3A_112 = vector.extract_strided_slice %get3A_52 {offsets = [2], sizes = [1], strides = [1]} : vector<16xi32> to vector<1xi32>
      %squeeze3A_113 = vector.extract %slice3A_112[0] : i32 from vector<1xi32>
      %dma_start3A_114 = arith.constant 0 : i32
      %dma_start3A_115 = tpu.memref_slice %arg11[%add3A_101, %dma_start3A_114] : memref<256x64xf32, #tpu.memory_space<vmem>> -> memref<1x64xf32, #tpu.memory_space<vmem>>
      %dma_start3A_116 = arith.constant 0 : i32
      %dma_start3A_117 = tpu.memref_slice %arg3[%squeeze3A_113, %dma_start3A_116] : memref<1000000x64xf32, #tpu.memory_space<hbm>> -> memref<1x64xf32, #tpu.memory_space<hbm>>
      %dma_start3A_118 = arith.constant 0 : i32
      %dma_start3A_119 = tpu.memref_slice %arg11[%add3A_101, %dma_start3A_118] : memref<256x64xf32, #tpu.memory_space<vmem>> -> memref<1x64xf32, #tpu.memory_space<vmem>>
      %dma_start3A_120 = arith.constant 0 : i32
      %dma_start3A_121 = tpu.memref_slice %arg3[%squeeze3A_113, %dma_start3A_120] : memref<1000000x64xf32, #tpu.memory_space<hbm>> -> memref<1x64xf32, #tpu.memory_space<hbm>>
      tpu.enqueue_dma source(%dma_start3A_121 : memref<1x64xf32, #tpu.memory_space<hbm>>) target(%dma_start3A_119 : memref<1x64xf32, #tpu.memory_space<vmem>>) target_semaphore(%arg13 : memref<!tpu.dma_semaphore, #tpu.memory_space<semaphore_mem>>)
      %mul3A_122 = arith.constant 16 : i32
      %mul3A_123 = arith.muli %scan3A_39, %mul3A_122 : i32
      %add3A_124 = arith.constant 3 : i32
      %add3A_125 = arith.addi %mul3A_123, %add3A_124 : i32
      %slice3A_126 = vector.extract_strided_slice %get3A_45 {offsets = [3], sizes = [1], strides = [1]} : vector<16xi32> to vector<1xi32>
      %squeeze3A_127 = vector.extract %slice3A_126[0] : i32 from vector<1xi32>
      %dma_start3A_128 = arith.constant 0 : i32
      %dma_start3A_129 = tpu.memref_slice %arg10[%add3A_125, %dma_start3A_128] : memref<256x32xf32, #tpu.memory_space<vmem>> -> memref<1x32xf32, #tpu.memory_space<vmem>>
      %dma_start3A_130 = arith.constant 0 : i32
      %dma_start3A_131 = tpu.memref_slice %arg2[%squeeze3A_127, %dma_start3A_130] : memref<2880x32xf32, #tpu.memory_space<hbm>> -> memref<1x32xf32, #tpu.memory_space<hbm>>
      %dma_start3A_132 = arith.constant 0 : i32
      %dma_start3A_133 = tpu.memref_slice %arg10[%add3A_125, %dma_start3A_132] : memref<256x32xf32, #tpu.memory_space<vmem>> -> memref<1x32xf32, #tpu.memory_space<vmem>>
      %dma_start3A_134 = arith.constant 0 : i32
      %dma_start3A_135 = tpu.memref_slice %arg2[%squeeze3A_127, %dma_start3A_134] : memref<2880x32xf32, #tpu.memory_space<hbm>> -> memref<1x32xf32, #tpu.memory_space<hbm>>
      tpu.enqueue_dma source(%dma_start3A_135 : memref<1x32xf32, #tpu.memory_space<hbm>>) target(%dma_start3A_133 : memref<1x32xf32, #tpu.memory_space<vmem>>) target_semaphore(%arg12 : memref<!tpu.dma_semaphore, #tpu.memory_space<semaphore_mem>>)
      %slice3A_136 = vector.extract_strided_slice %get3A_52 {offsets = [3], sizes = [1], strides = [1]} : vector<16xi32> to vector<1xi32>
      %squeeze3A_137 = vector.extract %slice3A_136[0] : i32 from vector<1xi32>
      %dma_start3A_138 = arith.constant 0 : i32
      %dma_start3A_139 = tpu.memref_slice %arg11[%add3A_125, %dma_start3A_138] : memref<256x64xf32, #tpu.memory_space<vmem>> -> memref<1x64xf32, #tpu.memory_space<vmem>>
      %dma_start3A_140 = arith.constant 0 : i32
      %dma_start3A_141 = tpu.memref_slice %arg3[%squeeze3A_137, %dma_start3A_140] : memref<1000000x64xf32, #tpu.memory_space<hbm>> -> memref<1x64xf32, #tpu.memory_space<hbm>>
      %dma_start3A_142 = arith.constant 0 : i32
      %dma_start3A_143 = tpu.memref_slice %arg11[%add3A_125, %dma_start3A_142] : memref<256x64xf32, #tpu.memory_space<vmem>> -> memref<1x64xf32, #tpu.memory_space<vmem>>
      %dma_start3A_144 = arith.constant 0 : i32
      %dma_start3A_145 = tpu.memref_slice %arg3[%squeeze3A_137, %dma_start3A_144] : memref<1000000x64xf32, #tpu.memory_space<hbm>> -> memref<1x64xf32, #tpu.memory_space<hbm>>
      tpu.enqueue_dma source(%dma_start3A_145 : memref<1x64xf32, #tpu.memory_space<hbm>>) target(%dma_start3A_143 : memref<1x64xf32, #tpu.memory_space<vmem>>) target_semaphore(%arg13 : memref<!tpu.dma_semaphore, #tpu.memory_space<semaphore_mem>>)
      %mul3A_146 = arith.constant 16 : i32
      %mul3A_147 = arith.muli %scan3A_39, %mul3A_146 : i32
      %add3A_148 = arith.constant 4 : i32
      %add3A_149 = arith.addi %mul3A_147, %add3A_148 : i32
      %slice3A_150 = vector.extract_strided_slice %get3A_45 {offsets = [4], sizes = [1], strides = [1]} : vector<16xi32> to vector<1xi32>
      %squeeze3A_151 = vector.extract %slice3A_150[0] : i32 from vector<1xi32>
      %dma_start3A_152 = arith.constant 0 : i32
      %dma_start3A_153 = tpu.memref_slice %arg10[%add3A_149, %dma_start3A_152] : memref<256x32xf32, #tpu.memory_space<vmem>> -> memref<1x32xf32, #tpu.memory_space<vmem>>
      %dma_start3A_154 = arith.constant 0 : i32
      %dma_start3A_155 = tpu.memref_slice %arg2[%squeeze3A_151, %dma_start3A_154] : memref<2880x32xf32, #tpu.memory_space<hbm>> -> memref<1x32xf32, #tpu.memory_space<hbm>>
      %dma_start3A_156 = arith.constant 0 : i32
      %dma_start3A_157 = tpu.memref_slice %arg10[%add3A_149, %dma_start3A_156] : memref<256x32xf32, #tpu.memory_space<vmem>> -> memref<1x32xf32, #tpu.memory_space<vmem>>
      %dma_start3A_158 = arith.constant 0 : i32
      %dma_start3A_159 = tpu.memref_slice %arg2[%squeeze3A_151, %dma_start3A_158] : memref<2880x32xf32, #tpu.memory_space<hbm>> -> memref<1x32xf32, #tpu.memory_space<hbm>>
      tpu.enqueue_dma source(%dma_start3A_159 : memref<1x32xf32, #tpu.memory_space<hbm>>) target(%dma_start3A_157 : memref<1x32xf32, #tpu.memory_space<vmem>>) target_semaphore(%arg12 : memref<!tpu.dma_semaphore, #tpu.memory_space<semaphore_mem>>)
      %slice3A_160 = vector.extract_strided_slice %get3A_52 {offsets = [4], sizes = [1], strides = [1]} : vector<16xi32> to vector<1xi32>
      %squeeze3A_161 = vector.extract %slice3A_160[0] : i32 from vector<1xi32>
      %dma_start3A_162 = arith.constant 0 : i32
      %dma_start3A_163 = tpu.memref_slice %arg11[%add3A_149, %dma_start3A_162] : memref<256x64xf32, #tpu.memory_space<vmem>> -> memref<1x64xf32, #tpu.memory_space<vmem>>
      %dma_start3A_164 = arith.constant 0 : i32
      %dma_start3A_165 = tpu.memref_slice %arg3[%squeeze3A_161, %dma_start3A_164] : memref<1000000x64xf32, #tpu.memory_space<hbm>> -> memref<1x64xf32, #tpu.memory_space<hbm>>
      %dma_start3A_166 = arith.constant 0 : i32
      %dma_start3A_167 = tpu.memref_slice %arg11[%add3A_149, %dma_start3A_166] : memref<256x64xf32, #tpu.memory_space<vmem>> -> memref<1x64xf32, #tpu.memory_space<vmem>>
      %dma_start3A_168 = arith.constant 0 : i32
      %dma_start3A_169 = tpu.memref_slice %arg3[%squeeze3A_161, %dma_start3A_168] : memref<1000000x64xf32, #tpu.memory_space<hbm>> -> memref<1x64xf32, #tpu.memory_space<hbm>>
      tpu.enqueue_dma source(%dma_start3A_169 : memref<1x64xf32, #tpu.memory_space<hbm>>) target(%dma_start3A_167 : memref<1x64xf32, #tpu.memory_space<vmem>>) target_semaphore(%arg13 : memref<!tpu.dma_semaphore, #tpu.memory_space<semaphore_mem>>)
      %mul3A_170 = arith.constant 16 : i32
      %mul3A_171 = arith.muli %scan3A_39, %mul3A_170 : i32
      %add3A_172 = arith.constant 5 : i32
      %add3A_173 = arith.addi %mul3A_171, %add3A_172 : i32
      %slice3A_174 = vector.extract_strided_slice %get3A_45 {offsets = [5], sizes = [1], strides = [1]} : vector<16xi32> to vector<1xi32>
      %squeeze3A_175 = vector.extract %slice3A_174[0] : i32 from vector<1xi32>
      %dma_start3A_176 = arith.constant 0 : i32
      %dma_start3A_177 = tpu.memref_slice %arg10[%add3A_173, %dma_start3A_176] : memref<256x32xf32, #tpu.memory_space<vmem>> -> memref<1x32xf32, #tpu.memory_space<vmem>>
      %dma_start3A_178 = arith.constant 0 : i32
      %dma_start3A_179 = tpu.memref_slice %arg2[%squeeze3A_175, %dma_start3A_178] : memref<2880x32xf32, #tpu.memory_space<hbm>> -> memref<1x32xf32, #tpu.memory_space<hbm>>
      %dma_start3A_180 = arith.constant 0 : i32
      %dma_start3A_181 = tpu.memref_slice %arg10[%add3A_173, %dma_start3A_180] : memref<256x32xf32, #tpu.memory_space<vmem>> -> memref<1x32xf32, #tpu.memory_space<vmem>>
      %dma_start3A_182 = arith.constant 0 : i32
      %dma_start3A_183 = tpu.memref_slice %arg2[%squeeze3A_175, %dma_start3A_182] : memref<2880x32xf32, #tpu.memory_space<hbm>> -> memref<1x32xf32, #tpu.memory_space<hbm>>
      tpu.enqueue_dma source(%dma_start3A_183 : memref<1x32xf32, #tpu.memory_space<hbm>>) target(%dma_start3A_181 : memref<1x32xf32, #tpu.memory_space<vmem>>) target_semaphore(%arg12 : memref<!tpu.dma_semaphore, #tpu.memory_space<semaphore_mem>>)
      %slice3A_184 = vector.extract_strided_slice %get3A_52 {offsets = [5], sizes = [1], strides = [1]} : vector<16xi32> to vector<1xi32>
      %squeeze3A_185 = vector.extract %slice3A_184[0] : i32 from vector<1xi32>
      %dma_start3A_186 = arith.constant 0 : i32
      %dma_start3A_187 = tpu.memref_slice %arg11[%add3A_173, %dma_start3A_186] : memref<256x64xf32, #tpu.memory_space<vmem>> -> memref<1x64xf32, #tpu.memory_space<vmem>>
      %dma_start3A_188 = arith.constant 0 : i32
      %dma_start3A_189 = tpu.memref_slice %arg3[%squeeze3A_185, %dma_start3A_188] : memref<1000000x64xf32, #tpu.memory_space<hbm>> -> memref<1x64xf32, #tpu.memory_space<hbm>>
      %dma_start3A_190 = arith.constant 0 : i32
      %dma_start3A_191 = tpu.memref_slice %arg11[%add3A_173, %dma_start3A_190] : memref<256x64xf32, #tpu.memory_space<vmem>> -> memref<1x64xf32, #tpu.memory_space<vmem>>
      %dma_start3A_192 = arith.constant 0 : i32
      %dma_start3A_193 = tpu.memref_slice %arg3[%squeeze3A_185, %dma_start3A_192] : memref<1000000x64xf32, #tpu.memory_space<hbm>> -> memref<1x64xf32, #tpu.memory_space<hbm>>
      tpu.enqueue_dma source(%dma_start3A_193 : memref<1x64xf32, #tpu.memory_space<hbm>>) target(%dma_start3A_191 : memref<1x64xf32, #tpu.memory_space<vmem>>) target_semaphore(%arg13 : memref<!tpu.dma_semaphore, #tpu.memory_space<semaphore_mem>>)
      %mul3A_194 = arith.constant 16 : i32
      %mul3A_195 = arith.muli %scan3A_39, %mul3A_194 : i32
      %add3A_196 = arith.constant 6 : i32
      %add3A_197 = arith.addi %mul3A_195, %add3A_196 : i32
      %slice3A_198 = vector.extract_strided_slice %get3A_45 {offsets = [6], sizes = [1], strides = [1]} : vector<16xi32> to vector<1xi32>
      %squeeze3A_199 = vector.extract %slice3A_198[0] : i32 from vector<1xi32>
      %dma_start3A_200 = arith.constant 0 : i32
      %dma_start3A_201 = tpu.memref_slice %arg10[%add3A_197, %dma_start3A_200] : memref<256x32xf32, #tpu.memory_space<vmem>> -> memref<1x32xf32, #tpu.memory_space<vmem>>
      %dma_start3A_202 = arith.constant 0 : i32
      %dma_start3A_203 = tpu.memref_slice %arg2[%squeeze3A_199, %dma_start3A_202] : memref<2880x32xf32, #tpu.memory_space<hbm>> -> memref<1x32xf32, #tpu.memory_space<hbm>>
      %dma_start3A_204 = arith.constant 0 : i32
      %dma_start3A_205 = tpu.memref_slice %arg10[%add3A_197, %dma_start3A_204] : memref<256x32xf32, #tpu.memory_space<vmem>> -> memref<1x32xf32, #tpu.memory_space<vmem>>
      %dma_start3A_206 = arith.constant 0 : i32
      %dma_start3A_207 = tpu.memref_slice %arg2[%squeeze3A_199, %dma_start3A_206] : memref<2880x32xf32, #tpu.memory_space<hbm>> -> memref<1x32xf32, #tpu.memory_space<hbm>>
      tpu.enqueue_dma source(%dma_start3A_207 : memref<1x32xf32, #tpu.memory_space<hbm>>) target(%dma_start3A_205 : memref<1x32xf32, #tpu.memory_space<vmem>>) target_semaphore(%arg12 : memref<!tpu.dma_semaphore, #tpu.memory_space<semaphore_mem>>)
      %slice3A_208 = vector.extract_strided_slice %get3A_52 {offsets = [6], sizes = [1], strides = [1]} : vector<16xi32> to vector<1xi32>
      %squeeze3A_209 = vector.extract %slice3A_208[0] : i32 from vector<1xi32>
      %dma_start3A_210 = arith.constant 0 : i32
      %dma_start3A_211 = tpu.memref_slice %arg11[%add3A_197, %dma_start3A_210] : memref<256x64xf32, #tpu.memory_space<vmem>> -> memref<1x64xf32, #tpu.memory_space<vmem>>
      %dma_start3A_212 = arith.constant 0 : i32
      %dma_start3A_213 = tpu.memref_slice %arg3[%squeeze3A_209, %dma_start3A_212] : memref<1000000x64xf32, #tpu.memory_space<hbm>> -> memref<1x64xf32, #tpu.memory_space<hbm>>
      %dma_start3A_214 = arith.constant 0 : i32
      %dma_start3A_215 = tpu.memref_slice %arg11[%add3A_197, %dma_start3A_214] : memref<256x64xf32, #tpu.memory_space<vmem>> -> memref<1x64xf32, #tpu.memory_space<vmem>>
      %dma_start3A_216 = arith.constant 0 : i32
      %dma_start3A_217 = tpu.memref_slice %arg3[%squeeze3A_209, %dma_start3A_216] : memref<1000000x64xf32, #tpu.memory_space<hbm>> -> memref<1x64xf32, #tpu.memory_space<hbm>>
      tpu.enqueue_dma source(%dma_start3A_217 : memref<1x64xf32, #tpu.memory_space<hbm>>) target(%dma_start3A_215 : memref<1x64xf32, #tpu.memory_space<vmem>>) target_semaphore(%arg13 : memref<!tpu.dma_semaphore, #tpu.memory_space<semaphore_mem>>)
      %mul3A_218 = arith.constant 16 : i32
      %mul3A_219 = arith.muli %scan3A_39, %mul3A_218 : i32
      %add3A_220 = arith.constant 7 : i32
      %add3A_221 = arith.addi %mul3A_219, %add3A_220 : i32
      %slice3A_222 = vector.extract_strided_slice %get3A_45 {offsets = [7], sizes = [1], strides = [1]} : vector<16xi32> to vector<1xi32>
      %squeeze3A_223 = vector.extract %slice3A_222[0] : i32 from vector<1xi32>
      %dma_start3A_224 = arith.constant 0 : i32
      %dma_start3A_225 = tpu.memref_slice %arg10[%add3A_221, %dma_start3A_224] : memref<256x32xf32, #tpu.memory_space<vmem>> -> memref<1x32xf32, #tpu.memory_space<vmem>>
      %dma_start3A_226 = arith.constant 0 : i32
      %dma_start3A_227 = tpu.memref_slice %arg2[%squeeze3A_223, %dma_start3A_226] : memref<2880x32xf32, #tpu.memory_space<hbm>> -> memref<1x32xf32, #tpu.memory_space<hbm>>
      %dma_start3A_228 = arith.constant 0 : i32
      %dma_start3A_229 = tpu.memref_slice %arg10[%add3A_221, %dma_start3A_228] : memref<256x32xf32, #tpu.memory_space<vmem>> -> memref<1x32xf32, #tpu.memory_space<vmem>>
      %dma_start3A_230 = arith.constant 0 : i32
      %dma_start3A_231 = tpu.memref_slice %arg2[%squeeze3A_223, %dma_start3A_230] : memref<2880x32xf32, #tpu.memory_space<hbm>> -> memref<1x32xf32, #tpu.memory_space<hbm>>
      tpu.enqueue_dma source(%dma_start3A_231 : memref<1x32xf32, #tpu.memory_space<hbm>>) target(%dma_start3A_229 : memref<1x32xf32, #tpu.memory_space<vmem>>) target_semaphore(%arg12 : memref<!tpu.dma_semaphore, #tpu.memory_space<semaphore_mem>>)
      %slice3A_232 = vector.extract_strided_slice %get3A_52 {offsets = [7], sizes = [1], strides = [1]} : vector<16xi32> to vector<1xi32>
      %squeeze3A_233 = vector.extract %slice3A_232[0] : i32 from vector<1xi32>
      %dma_start3A_234 = arith.constant 0 : i32
      %dma_start3A_235 = tpu.memref_slice %arg11[%add3A_221, %dma_start3A_234] : memref<256x64xf32, #tpu.memory_space<vmem>> -> memref<1x64xf32, #tpu.memory_space<vmem>>
      %dma_start3A_236 = arith.constant 0 : i32
      %dma_start3A_237 = tpu.memref_slice %arg3[%squeeze3A_233, %dma_start3A_236] : memref<1000000x64xf32, #tpu.memory_space<hbm>> -> memref<1x64xf32, #tpu.memory_space<hbm>>
      %dma_start3A_238 = arith.constant 0 : i32
      %dma_start3A_239 = tpu.memref_slice %arg11[%add3A_221, %dma_start3A_238] : memref<256x64xf32, #tpu.memory_space<vmem>> -> memref<1x64xf32, #tpu.memory_space<vmem>>
      %dma_start3A_240 = arith.constant 0 : i32
      %dma_start3A_241 = tpu.memref_slice %arg3[%squeeze3A_233, %dma_start3A_240] : memref<1000000x64xf32, #tpu.memory_space<hbm>> -> memref<1x64xf32, #tpu.memory_space<hbm>>
      tpu.enqueue_dma source(%dma_start3A_241 : memref<1x64xf32, #tpu.memory_space<hbm>>) target(%dma_start3A_239 : memref<1x64xf32, #tpu.memory_space<vmem>>) target_semaphore(%arg13 : memref<!tpu.dma_semaphore, #tpu.memory_space<semaphore_mem>>)
      %mul3A_242 = arith.constant 16 : i32
      %mul3A_243 = arith.muli %scan3A_39, %mul3A_242 : i32
      %add3A_244 = arith.constant 8 : i32
      %add3A_245 = arith.addi %mul3A_243, %add3A_244 : i32
      %slice3A_246 = vector.extract_strided_slice %get3A_45 {offsets = [8], sizes = [1], strides = [1]} : vector<16xi32> to vector<1xi32>
      %squeeze3A_247 = vector.extract %slice3A_246[0] : i32 from vector<1xi32>
      %dma_start3A_248 = arith.constant 0 : i32
      %dma_start3A_249 = tpu.memref_slice %arg10[%add3A_245, %dma_start3A_248] : memref<256x32xf32, #tpu.memory_space<vmem>> -> memref<1x32xf32, #tpu.memory_space<vmem>>
      %dma_start3A_250 = arith.constant 0 : i32
      %dma_start3A_251 = tpu.memref_slice %arg2[%squeeze3A_247, %dma_start3A_250] : memref<2880x32xf32, #tpu.memory_space<hbm>> -> memref<1x32xf32, #tpu.memory_space<hbm>>
      %dma_start3A_252 = arith.constant 0 : i32
      %dma_start3A_253 = tpu.memref_slice %arg10[%add3A_245, %dma_start3A_252] : memref<256x32xf32, #tpu.memory_space<vmem>> -> memref<1x32xf32, #tpu.memory_space<vmem>>
      %dma_start3A_254 = arith.constant 0 : i32
      %dma_start3A_255 = tpu.memref_slice %arg2[%squeeze3A_247, %dma_start3A_254] : memref<2880x32xf32, #tpu.memory_space<hbm>> -> memref<1x32xf32, #tpu.memory_space<hbm>>
      tpu.enqueue_dma source(%dma_start3A_255 : memref<1x32xf32, #tpu.memory_space<hbm>>) target(%dma_start3A_253 : memref<1x32xf32, #tpu.memory_space<vmem>>) target_semaphore(%arg12 : memref<!tpu.dma_semaphore, #tpu.memory_space<semaphore_mem>>)
      %slice3A_256 = vector.extract_strided_slice %get3A_52 {offsets = [8], sizes = [1], strides = [1]} : vector<16xi32> to vector<1xi32>
      %squeeze3A_257 = vector.extract %slice3A_256[0] : i32 from vector<1xi32>
      %dma_start3A_258 = arith.constant 0 : i32
      %dma_start3A_259 = tpu.memref_slice %arg11[%add3A_245, %dma_start3A_258] : memref<256x64xf32, #tpu.memory_space<vmem>> -> memref<1x64xf32, #tpu.memory_space<vmem>>
      %dma_start3A_260 = arith.constant 0 : i32
      %dma_start3A_261 = tpu.memref_slice %arg3[%squeeze3A_257, %dma_start3A_260] : memref<1000000x64xf32, #tpu.memory_space<hbm>> -> memref<1x64xf32, #tpu.memory_space<hbm>>
      %dma_start3A_262 = arith.constant 0 : i32
      %dma_start3A_263 = tpu.memref_slice %arg11[%add3A_245, %dma_start3A_262] : memref<256x64xf32, #tpu.memory_space<vmem>> -> memref<1x64xf32, #tpu.memory_space<vmem>>
      %dma_start3A_264 = arith.constant 0 : i32
      %dma_start3A_265 = tpu.memref_slice %arg3[%squeeze3A_257, %dma_start3A_264] : memref<1000000x64xf32, #tpu.memory_space<hbm>> -> memref<1x64xf32, #tpu.memory_space<hbm>>
      tpu.enqueue_dma source(%dma_start3A_265 : memref<1x64xf32, #tpu.memory_space<hbm>>) target(%dma_start3A_263 : memref<1x64xf32, #tpu.memory_space<vmem>>) target_semaphore(%arg13 : memref<!tpu.dma_semaphore, #tpu.memory_space<semaphore_mem>>)
      %mul3A_266 = arith.constant 16 : i32
      %mul3A_267 = arith.muli %scan3A_39, %mul3A_266 : i32
      %add3A_268 = arith.constant 9 : i32
      %add3A_269 = arith.addi %mul3A_267, %add3A_268 : i32
      %slice3A_270 = vector.extract_strided_slice %get3A_45 {offsets = [9], sizes = [1], strides = [1]} : vector<16xi32> to vector<1xi32>
      %squeeze3A_271 = vector.extract %slice3A_270[0] : i32 from vector<1xi32>
      %dma_start3A_272 = arith.constant 0 : i32
      %dma_start3A_273 = tpu.memref_slice %arg10[%add3A_269, %dma_start3A_272] : memref<256x32xf32, #tpu.memory_space<vmem>> -> memref<1x32xf32, #tpu.memory_space<vmem>>
      %dma_start3A_274 = arith.constant 0 : i32
      %dma_start3A_275 = tpu.memref_slice %arg2[%squeeze3A_271, %dma_start3A_274] : memref<2880x32xf32, #tpu.memory_space<hbm>> -> memref<1x32xf32, #tpu.memory_space<hbm>>
      %dma_start3A_276 = arith.constant 0 : i32
      %dma_start3A_277 = tpu.memref_slice %arg10[%add3A_269, %dma_start3A_276] : memref<256x32xf32, #tpu.memory_space<vmem>> -> memref<1x32xf32, #tpu.memory_space<vmem>>
      %dma_start3A_278 = arith.constant 0 : i32
      %dma_start3A_279 = tpu.memref_slice %arg2[%squeeze3A_271, %dma_start3A_278] : memref<2880x32xf32, #tpu.memory_space<hbm>> -> memref<1x32xf32, #tpu.memory_space<hbm>>
      tpu.enqueue_dma source(%dma_start3A_279 : memref<1x32xf32, #tpu.memory_space<hbm>>) target(%dma_start3A_277 : memref<1x32xf32, #tpu.memory_space<vmem>>) target_semaphore(%arg12 : memref<!tpu.dma_semaphore, #tpu.memory_space<semaphore_mem>>)
      %slice3A_280 = vector.extract_strided_slice %get3A_52 {offsets = [9], sizes = [1], strides = [1]} : vector<16xi32> to vector<1xi32>
      %squeeze3A_281 = vector.extract %slice3A_280[0] : i32 from vector<1xi32>
      %dma_start3A_282 = arith.constant 0 : i32
      %dma_start3A_283 = tpu.memref_slice %arg11[%add3A_269, %dma_start3A_282] : memref<256x64xf32, #tpu.memory_space<vmem>> -> memref<1x64xf32, #tpu.memory_space<vmem>>
      %dma_start3A_284 = arith.constant 0 : i32
      %dma_start3A_285 = tpu.memref_slice %arg3[%squeeze3A_281, %dma_start3A_284] : memref<1000000x64xf32, #tpu.memory_space<hbm>> -> memref<1x64xf32, #tpu.memory_space<hbm>>
      %dma_start3A_286 = arith.constant 0 : i32
      %dma_start3A_287 = tpu.memref_slice %arg11[%add3A_269, %dma_start3A_286] : memref<256x64xf32, #tpu.memory_space<vmem>> -> memref<1x64xf32, #tpu.memory_space<vmem>>
      %dma_start3A_288 = arith.constant 0 : i32
      %dma_start3A_289 = tpu.memref_slice %arg3[%squeeze3A_281, %dma_start3A_288] : memref<1000000x64xf32, #tpu.memory_space<hbm>> -> memref<1x64xf32, #tpu.memory_space<hbm>>
      tpu.enqueue_dma source(%dma_start3A_289 : memref<1x64xf32, #tpu.memory_space<hbm>>) target(%dma_start3A_287 : memref<1x64xf32, #tpu.memory_space<vmem>>) target_semaphore(%arg13 : memref<!tpu.dma_semaphore, #tpu.memory_space<semaphore_mem>>)
      %mul3A_290 = arith.constant 16 : i32
      %mul3A_291 = arith.muli %scan3A_39, %mul3A_290 : i32
      %add3A_292 = arith.constant 10 : i32
      %add3A_293 = arith.addi %mul3A_291, %add3A_292 : i32
      %slice3A_294 = vector.extract_strided_slice %get3A_45 {offsets = [10], sizes = [1], strides = [1]} : vector<16xi32> to vector<1xi32>
      %squeeze3A_295 = vector.extract %slice3A_294[0] : i32 from vector<1xi32>
      %dma_start3A_296 = arith.constant 0 : i32
      %dma_start3A_297 = tpu.memref_slice %arg10[%add3A_293, %dma_start3A_296] : memref<256x32xf32, #tpu.memory_space<vmem>> -> memref<1x32xf32, #tpu.memory_space<vmem>>
      %dma_start3A_298 = arith.constant 0 : i32
      %dma_start3A_299 = tpu.memref_slice %arg2[%squeeze3A_295, %dma_start3A_298] : memref<2880x32xf32, #tpu.memory_space<hbm>> -> memref<1x32xf32, #tpu.memory_space<hbm>>
      %dma_start3A_300 = arith.constant 0 : i32
      %dma_start3A_301 = tpu.memref_slice %arg10[%add3A_293, %dma_start3A_300] : memref<256x32xf32, #tpu.memory_space<vmem>> -> memref<1x32xf32, #tpu.memory_space<vmem>>
      %dma_start3A_302 = arith.constant 0 : i32
      %dma_start3A_303 = tpu.memref_slice %arg2[%squeeze3A_295, %dma_start3A_302] : memref<2880x32xf32, #tpu.memory_space<hbm>> -> memref<1x32xf32, #tpu.memory_space<hbm>>
      tpu.enqueue_dma source(%dma_start3A_303 : memref<1x32xf32, #tpu.memory_space<hbm>>) target(%dma_start3A_301 : memref<1x32xf32, #tpu.memory_space<vmem>>) target_semaphore(%arg12 : memref<!tpu.dma_semaphore, #tpu.memory_space<semaphore_mem>>)
      %slice3A_304 = vector.extract_strided_slice %get3A_52 {offsets = [10], sizes = [1], strides = [1]} : vector<16xi32> to vector<1xi32>
      %squeeze3A_305 = vector.extract %slice3A_304[0] : i32 from vector<1xi32>
      %dma_start3A_306 = arith.constant 0 : i32
      %dma_start3A_307 = tpu.memref_slice %arg11[%add3A_293, %dma_start3A_306] : memref<256x64xf32, #tpu.memory_space<vmem>> -> memref<1x64xf32, #tpu.memory_space<vmem>>
      %dma_start3A_308 = arith.constant 0 : i32
      %dma_start3A_309 = tpu.memref_slice %arg3[%squeeze3A_305, %dma_start3A_308] : memref<1000000x64xf32, #tpu.memory_space<hbm>> -> memref<1x64xf32, #tpu.memory_space<hbm>>
      %dma_start3A_310 = arith.constant 0 : i32
      %dma_start3A_311 = tpu.memref_slice %arg11[%add3A_293, %dma_start3A_310] : memref<256x64xf32, #tpu.memory_space<vmem>> -> memref<1x64xf32, #tpu.memory_space<vmem>>
      %dma_start3A_312 = arith.constant 0 : i32
      %dma_start3A_313 = tpu.memref_slice %arg3[%squeeze3A_305, %dma_start3A_312] : memref<1000000x64xf32, #tpu.memory_space<hbm>> -> memref<1x64xf32, #tpu.memory_space<hbm>>
      tpu.enqueue_dma source(%dma_start3A_313 : memref<1x64xf32, #tpu.memory_space<hbm>>) target(%dma_start3A_311 : memref<1x64xf32, #tpu.memory_space<vmem>>) target_semaphore(%arg13 : memref<!tpu.dma_semaphore, #tpu.memory_space<semaphore_mem>>)
      %mul3A_314 = arith.constant 16 : i32
      %mul3A_315 = arith.muli %scan3A_39, %mul3A_314 : i32
      %add3A_316 = arith.constant 11 : i32
      %add3A_317 = arith.addi %mul3A_315, %add3A_316 : i32
      %slice3A_318 = vector.extract_strided_slice %get3A_45 {offsets = [11], sizes = [1], strides = [1]} : vector<16xi32> to vector<1xi32>
      %squeeze3A_319 = vector.extract %slice3A_318[0] : i32 from vector<1xi32>
      %dma_start3A_320 = arith.constant 0 : i32
      %dma_start3A_321 = tpu.memref_slice %arg10[%add3A_317, %dma_start3A_320] : memref<256x32xf32, #tpu.memory_space<vmem>> -> memref<1x32xf32, #tpu.memory_space<vmem>>
      %dma_start3A_322 = arith.constant 0 : i32
      %dma_start3A_323 = tpu.memref_slice %arg2[%squeeze3A_319, %dma_start3A_322] : memref<2880x32xf32, #tpu.memory_space<hbm>> -> memref<1x32xf32, #tpu.memory_space<hbm>>
      %dma_start3A_324 = arith.constant 0 : i32
      %dma_start3A_325 = tpu.memref_slice %arg10[%add3A_317, %dma_start3A_324] : memref<256x32xf32, #tpu.memory_space<vmem>> -> memref<1x32xf32, #tpu.memory_space<vmem>>
      %dma_start3A_326 = arith.constant 0 : i32
      %dma_start3A_327 = tpu.memref_slice %arg2[%squeeze3A_319, %dma_start3A_326] : memref<2880x32xf32, #tpu.memory_space<hbm>> -> memref<1x32xf32, #tpu.memory_space<hbm>>
      tpu.enqueue_dma source(%dma_start3A_327 : memref<1x32xf32, #tpu.memory_space<hbm>>) target(%dma_start3A_325 : memref<1x32xf32, #tpu.memory_space<vmem>>) target_semaphore(%arg12 : memref<!tpu.dma_semaphore, #tpu.memory_space<semaphore_mem>>)
      %slice3A_328 = vector.extract_strided_slice %get3A_52 {offsets = [11], sizes = [1], strides = [1]} : vector<16xi32> to vector<1xi32>
      %squeeze3A_329 = vector.extract %slice3A_328[0] : i32 from vector<1xi32>
      %dma_start3A_330 = arith.constant 0 : i32
      %dma_start3A_331 = tpu.memref_slice %arg11[%add3A_317, %dma_start3A_330] : memref<256x64xf32, #tpu.memory_space<vmem>> -> memref<1x64xf32, #tpu.memory_space<vmem>>
      %dma_start3A_332 = arith.constant 0 : i32
      %dma_start3A_333 = tpu.memref_slice %arg3[%squeeze3A_329, %dma_start3A_332] : memref<1000000x64xf32, #tpu.memory_space<hbm>> -> memref<1x64xf32, #tpu.memory_space<hbm>>
      %dma_start3A_334 = arith.constant 0 : i32
      %dma_start3A_335 = tpu.memref_slice %arg11[%add3A_317, %dma_start3A_334] : memref<256x64xf32, #tpu.memory_space<vmem>> -> memref<1x64xf32, #tpu.memory_space<vmem>>
      %dma_start3A_336 = arith.constant 0 : i32
      %dma_start3A_337 = tpu.memref_slice %arg3[%squeeze3A_329, %dma_start3A_336] : memref<1000000x64xf32, #tpu.memory_space<hbm>> -> memref<1x64xf32, #tpu.memory_space<hbm>>
      tpu.enqueue_dma source(%dma_start3A_337 : memref<1x64xf32, #tpu.memory_space<hbm>>) target(%dma_start3A_335 : memref<1x64xf32, #tpu.memory_space<vmem>>) target_semaphore(%arg13 : memref<!tpu.dma_semaphore, #tpu.memory_space<semaphore_mem>>)
      %mul3A_338 = arith.constant 16 : i32
      %mul3A_339 = arith.muli %scan3A_39, %mul3A_338 : i32
      %add3A_340 = arith.constant 12 : i32
      %add3A_341 = arith.addi %mul3A_339, %add3A_340 : i32
      %slice3A_342 = vector.extract_strided_slice %get3A_45 {offsets = [12], sizes = [1], strides = [1]} : vector<16xi32> to vector<1xi32>
      %squeeze3A_343 = vector.extract %slice3A_342[0] : i32 from vector<1xi32>
      %dma_start3A_344 = arith.constant 0 : i32
      %dma_start3A_345 = tpu.memref_slice %arg10[%add3A_341, %dma_start3A_344] : memref<256x32xf32, #tpu.memory_space<vmem>> -> memref<1x32xf32, #tpu.memory_space<vmem>>
      %dma_start3A_346 = arith.constant 0 : i32
      %dma_start3A_347 = tpu.memref_slice %arg2[%squeeze3A_343, %dma_start3A_346] : memref<2880x32xf32, #tpu.memory_space<hbm>> -> memref<1x32xf32, #tpu.memory_space<hbm>>
      %dma_start3A_348 = arith.constant 0 : i32
      %dma_start3A_349 = tpu.memref_slice %arg10[%add3A_341, %dma_start3A_348] : memref<256x32xf32, #tpu.memory_space<vmem>> -> memref<1x32xf32, #tpu.memory_space<vmem>>
      %dma_start3A_350 = arith.constant 0 : i32
      %dma_start3A_351 = tpu.memref_slice %arg2[%squeeze3A_343, %dma_start3A_350] : memref<2880x32xf32, #tpu.memory_space<hbm>> -> memref<1x32xf32, #tpu.memory_space<hbm>>
      tpu.enqueue_dma source(%dma_start3A_351 : memref<1x32xf32, #tpu.memory_space<hbm>>) target(%dma_start3A_349 : memref<1x32xf32, #tpu.memory_space<vmem>>) target_semaphore(%arg12 : memref<!tpu.dma_semaphore, #tpu.memory_space<semaphore_mem>>)
      %slice3A_352 = vector.extract_strided_slice %get3A_52 {offsets = [12], sizes = [1], strides = [1]} : vector<16xi32> to vector<1xi32>
      %squeeze3A_353 = vector.extract %slice3A_352[0] : i32 from vector<1xi32>
      %dma_start3A_354 = arith.constant 0 : i32
      %dma_start3A_355 = tpu.memref_slice %arg11[%add3A_341, %dma_start3A_354] : memref<256x64xf32, #tpu.memory_space<vmem>> -> memref<1x64xf32, #tpu.memory_space<vmem>>
      %dma_start3A_356 = arith.constant 0 : i32
      %dma_start3A_357 = tpu.memref_slice %arg3[%squeeze3A_353, %dma_start3A_356] : memref<1000000x64xf32, #tpu.memory_space<hbm>> -> memref<1x64xf32, #tpu.memory_space<hbm>>
      %dma_start3A_358 = arith.constant 0 : i32
      %dma_start3A_359 = tpu.memref_slice %arg11[%add3A_341, %dma_start3A_358] : memref<256x64xf32, #tpu.memory_space<vmem>> -> memref<1x64xf32, #tpu.memory_space<vmem>>
      %dma_start3A_360 = arith.constant 0 : i32
      %dma_start3A_361 = tpu.memref_slice %arg3[%squeeze3A_353, %dma_start3A_360] : memref<1000000x64xf32, #tpu.memory_space<hbm>> -> memref<1x64xf32, #tpu.memory_space<hbm>>
      tpu.enqueue_dma source(%dma_start3A_361 : memref<1x64xf32, #tpu.memory_space<hbm>>) target(%dma_start3A_359 : memref<1x64xf32, #tpu.memory_space<vmem>>) target_semaphore(%arg13 : memref<!tpu.dma_semaphore, #tpu.memory_space<semaphore_mem>>)
      %mul3A_362 = arith.constant 16 : i32
      %mul3A_363 = arith.muli %scan3A_39, %mul3A_362 : i32
      %add3A_364 = arith.constant 13 : i32
      %add3A_365 = arith.addi %mul3A_363, %add3A_364 : i32
      %slice3A_366 = vector.extract_strided_slice %get3A_45 {offsets = [13], sizes = [1], strides = [1]} : vector<16xi32> to vector<1xi32>
      %squeeze3A_367 = vector.extract %slice3A_366[0] : i32 from vector<1xi32>
      %dma_start3A_368 = arith.constant 0 : i32
      %dma_start3A_369 = tpu.memref_slice %arg10[%add3A_365, %dma_start3A_368] : memref<256x32xf32, #tpu.memory_space<vmem>> -> memref<1x32xf32, #tpu.memory_space<vmem>>
      %dma_start3A_370 = arith.constant 0 : i32
      %dma_start3A_371 = tpu.memref_slice %arg2[%squeeze3A_367, %dma_start3A_370] : memref<2880x32xf32, #tpu.memory_space<hbm>> -> memref<1x32xf32, #tpu.memory_space<hbm>>
      %dma_start3A_372 = arith.constant 0 : i32
      %dma_start3A_373 = tpu.memref_slice %arg10[%add3A_365, %dma_start3A_372] : memref<256x32xf32, #tpu.memory_space<vmem>> -> memref<1x32xf32, #tpu.memory_space<vmem>>
      %dma_start3A_374 = arith.constant 0 : i32
      %dma_start3A_375 = tpu.memref_slice %arg2[%squeeze3A_367, %dma_start3A_374] : memref<2880x32xf32, #tpu.memory_space<hbm>> -> memref<1x32xf32, #tpu.memory_space<hbm>>
      tpu.enqueue_dma source(%dma_start3A_375 : memref<1x32xf32, #tpu.memory_space<hbm>>) target(%dma_start3A_373 : memref<1x32xf32, #tpu.memory_space<vmem>>) target_semaphore(%arg12 : memref<!tpu.dma_semaphore, #tpu.memory_space<semaphore_mem>>)
      %slice3A_376 = vector.extract_strided_slice %get3A_52 {offsets = [13], sizes = [1], strides = [1]} : vector<16xi32> to vector<1xi32>
      %squeeze3A_377 = vector.extract %slice3A_376[0] : i32 from vector<1xi32>
      %dma_start3A_378 = arith.constant 0 : i32
      %dma_start3A_379 = tpu.memref_slice %arg11[%add3A_365, %dma_start3A_378] : memref<256x64xf32, #tpu.memory_space<vmem>> -> memref<1x64xf32, #tpu.memory_space<vmem>>
      %dma_start3A_380 = arith.constant 0 : i32
      %dma_start3A_381 = tpu.memref_slice %arg3[%squeeze3A_377, %dma_start3A_380] : memref<1000000x64xf32, #tpu.memory_space<hbm>> -> memref<1x64xf32, #tpu.memory_space<hbm>>
      %dma_start3A_382 = arith.constant 0 : i32
      %dma_start3A_383 = tpu.memref_slice %arg11[%add3A_365, %dma_start3A_382] : memref<256x64xf32, #tpu.memory_space<vmem>> -> memref<1x64xf32, #tpu.memory_space<vmem>>
      %dma_start3A_384 = arith.constant 0 : i32
      %dma_start3A_385 = tpu.memref_slice %arg3[%squeeze3A_377, %dma_start3A_384] : memref<1000000x64xf32, #tpu.memory_space<hbm>> -> memref<1x64xf32, #tpu.memory_space<hbm>>
      tpu.enqueue_dma source(%dma_start3A_385 : memref<1x64xf32, #tpu.memory_space<hbm>>) target(%dma_start3A_383 : memref<1x64xf32, #tpu.memory_space<vmem>>) target_semaphore(%arg13 : memref<!tpu.dma_semaphore, #tpu.memory_space<semaphore_mem>>)
      %mul3A_386 = arith.constant 16 : i32
      %mul3A_387 = arith.muli %scan3A_39, %mul3A_386 : i32
      %add3A_388 = arith.constant 14 : i32
      %add3A_389 = arith.addi %mul3A_387, %add3A_388 : i32
      %slice3A_390 = vector.extract_strided_slice %get3A_45 {offsets = [14], sizes = [1], strides = [1]} : vector<16xi32> to vector<1xi32>
      %squeeze3A_391 = vector.extract %slice3A_390[0] : i32 from vector<1xi32>
      %dma_start3A_392 = arith.constant 0 : i32
      %dma_start3A_393 = tpu.memref_slice %arg10[%add3A_389, %dma_start3A_392] : memref<256x32xf32, #tpu.memory_space<vmem>> -> memref<1x32xf32, #tpu.memory_space<vmem>>
      %dma_start3A_394 = arith.constant 0 : i32
      %dma_start3A_395 = tpu.memref_slice %arg2[%squeeze3A_391, %dma_start3A_394] : memref<2880x32xf32, #tpu.memory_space<hbm>> -> memref<1x32xf32, #tpu.memory_space<hbm>>
      %dma_start3A_396 = arith.constant 0 : i32
      %dma_start3A_397 = tpu.memref_slice %arg10[%add3A_389, %dma_start3A_396] : memref<256x32xf32, #tpu.memory_space<vmem>> -> memref<1x32xf32, #tpu.memory_space<vmem>>
      %dma_start3A_398 = arith.constant 0 : i32
      %dma_start3A_399 = tpu.memref_slice %arg2[%squeeze3A_391, %dma_start3A_398] : memref<2880x32xf32, #tpu.memory_space<hbm>> -> memref<1x32xf32, #tpu.memory_space<hbm>>
      tpu.enqueue_dma source(%dma_start3A_399 : memref<1x32xf32, #tpu.memory_space<hbm>>) target(%dma_start3A_397 : memref<1x32xf32, #tpu.memory_space<vmem>>) target_semaphore(%arg12 : memref<!tpu.dma_semaphore, #tpu.memory_space<semaphore_mem>>)
      %slice3A_400 = vector.extract_strided_slice %get3A_52 {offsets = [14], sizes = [1], strides = [1]} : vector<16xi32> to vector<1xi32>
      %squeeze3A_401 = vector.extract %slice3A_400[0] : i32 from vector<1xi32>
      %dma_start3A_402 = arith.constant 0 : i32
      %dma_start3A_403 = tpu.memref_slice %arg11[%add3A_389, %dma_start3A_402] : memref<256x64xf32, #tpu.memory_space<vmem>> -> memref<1x64xf32, #tpu.memory_space<vmem>>
      %dma_start3A_404 = arith.constant 0 : i32
      %dma_start3A_405 = tpu.memref_slice %arg3[%squeeze3A_401, %dma_start3A_404] : memref<1000000x64xf32, #tpu.memory_space<hbm>> -> memref<1x64xf32, #tpu.memory_space<hbm>>
      %dma_start3A_406 = arith.constant 0 : i32
      %dma_start3A_407 = tpu.memref_slice %arg11[%add3A_389, %dma_start3A_406] : memref<256x64xf32, #tpu.memory_space<vmem>> -> memref<1x64xf32, #tpu.memory_space<vmem>>
      %dma_start3A_408 = arith.constant 0 : i32
      %dma_start3A_409 = tpu.memref_slice %arg3[%squeeze3A_401, %dma_start3A_408] : memref<1000000x64xf32, #tpu.memory_space<hbm>> -> memref<1x64xf32, #tpu.memory_space<hbm>>
      tpu.enqueue_dma source(%dma_start3A_409 : memref<1x64xf32, #tpu.memory_space<hbm>>) target(%dma_start3A_407 : memref<1x64xf32, #tpu.memory_space<vmem>>) target_semaphore(%arg13 : memref<!tpu.dma_semaphore, #tpu.memory_space<semaphore_mem>>)
      %mul3A_410 = arith.constant 16 : i32
      %mul3A_411 = arith.muli %scan3A_39, %mul3A_410 : i32
      %add3A_412 = arith.constant 15 : i32
      %add3A_413 = arith.addi %mul3A_411, %add3A_412 : i32
      %slice3A_414 = vector.extract_strided_slice %get3A_45 {offsets = [15], sizes = [1], strides = [1]} : vector<16xi32> to vector<1xi32>
      %squeeze3A_415 = vector.extract %slice3A_414[0] : i32 from vector<1xi32>
      %dma_start3A_416 = arith.constant 0 : i32
      %dma_start3A_417 = tpu.memref_slice %arg10[%add3A_413, %dma_start3A_416] : memref<256x32xf32, #tpu.memory_space<vmem>> -> memref<1x32xf32, #tpu.memory_space<vmem>>
      %dma_start3A_418 = arith.constant 0 : i32
      %dma_start3A_419 = tpu.memref_slice %arg2[%squeeze3A_415, %dma_start3A_418] : memref<2880x32xf32, #tpu.memory_space<hbm>> -> memref<1x32xf32, #tpu.memory_space<hbm>>
      %dma_start3A_420 = arith.constant 0 : i32
      %dma_start3A_421 = tpu.memref_slice %arg10[%add3A_413, %dma_start3A_420] : memref<256x32xf32, #tpu.memory_space<vmem>> -> memref<1x32xf32, #tpu.memory_space<vmem>>
      %dma_start3A_422 = arith.constant 0 : i32
      %dma_start3A_423 = tpu.memref_slice %arg2[%squeeze3A_415, %dma_start3A_422] : memref<2880x32xf32, #tpu.memory_space<hbm>> -> memref<1x32xf32, #tpu.memory_space<hbm>>
      tpu.enqueue_dma source(%dma_start3A_423 : memref<1x32xf32, #tpu.memory_space<hbm>>) target(%dma_start3A_421 : memref<1x32xf32, #tpu.memory_space<vmem>>) target_semaphore(%arg12 : memref<!tpu.dma_semaphore, #tpu.memory_space<semaphore_mem>>)
      %slice3A_424 = vector.extract_strided_slice %get3A_52 {offsets = [15], sizes = [1], strides = [1]} : vector<16xi32> to vector<1xi32>
      %squeeze3A_425 = vector.extract %slice3A_424[0] : i32 from vector<1xi32>
      %dma_start3A_426 = arith.constant 0 : i32
      %dma_start3A_427 = tpu.memref_slice %arg11[%add3A_413, %dma_start3A_426] : memref<256x64xf32, #tpu.memory_space<vmem>> -> memref<1x64xf32, #tpu.memory_space<vmem>>
      %dma_start3A_428 = arith.constant 0 : i32
      %dma_start3A_429 = tpu.memref_slice %arg3[%squeeze3A_425, %dma_start3A_428] : memref<1000000x64xf32, #tpu.memory_space<hbm>> -> memref<1x64xf32, #tpu.memory_space<hbm>>
      %dma_start3A_430 = arith.constant 0 : i32
      %dma_start3A_431 = tpu.memref_slice %arg11[%add3A_413, %dma_start3A_430] : memref<256x64xf32, #tpu.memory_space<vmem>> -> memref<1x64xf32, #tpu.memory_space<vmem>>
      %dma_start3A_432 = arith.constant 0 : i32
      %dma_start3A_433 = tpu.memref_slice %arg3[%squeeze3A_425, %dma_start3A_432] : memref<1000000x64xf32, #tpu.memory_space<hbm>> -> memref<1x64xf32, #tpu.memory_space<hbm>>
      tpu.enqueue_dma source(%dma_start3A_433 : memref<1x64xf32, #tpu.memory_space<hbm>>) target(%dma_start3A_431 : memref<1x64xf32, #tpu.memory_space<vmem>>) target_semaphore(%arg13 : memref<!tpu.dma_semaphore, #tpu.memory_space<semaphore_mem>>)
    }
    %scan3A_24 = arith.constant 16 : i32
    %dma_wait3A_25 = arith.constant 0 : i32
    %dma_wait3A_26 = arith.constant 0 : i32
    %dma_wait3A_27 = tpu.memref_slice %arg2[%dma_wait3A_25, %dma_wait3A_26] : memref<2880x32xf32, #tpu.memory_space<hbm>> -> memref<256x32xf32, #tpu.memory_space<hbm>>
    %dma_wait3A_28 = arith.constant 0 : i32
    %dma_wait3A_29 = arith.constant 0 : i32
    %dma_wait3A_30 = tpu.memref_slice %arg2[%dma_wait3A_28, %dma_wait3A_29] : memref<2880x32xf32, #tpu.memory_space<hbm>> -> memref<256x32xf32, #tpu.memory_space<hbm>>
    tpu.wait_dma2 semaphore(%arg12 : memref<!tpu.dma_semaphore, #tpu.memory_space<semaphore_mem>>) src(%dma_wait3A_30 : memref<256x32xf32, #tpu.memory_space<hbm>>) dst(%arg10 : memref<256x32xf32, #tpu.memory_space<vmem>>)
    %dma_wait3A_31 = arith.constant 0 : i32
    %dma_wait3A_32 = arith.constant 0 : i32
    %dma_wait3A_33 = tpu.memref_slice %arg3[%dma_wait3A_31, %dma_wait3A_32] : memref<1000000x64xf32, #tpu.memory_space<hbm>> -> memref<256x64xf32, #tpu.memory_space<hbm>>
    %dma_wait3A_34 = arith.constant 0 : i32
    %dma_wait3A_35 = arith.constant 0 : i32
    %dma_wait3A_36 = tpu.memref_slice %arg3[%dma_wait3A_34, %dma_wait3A_35] : memref<1000000x64xf32, #tpu.memory_space<hbm>> -> memref<256x64xf32, #tpu.memory_space<hbm>>
    tpu.wait_dma2 semaphore(%arg13 : memref<!tpu.dma_semaphore, #tpu.memory_space<semaphore_mem>>) src(%dma_wait3A_36 : memref<256x64xf32, #tpu.memory_space<hbm>>) dst(%arg11 : memref<256x64xf32, #tpu.memory_space<vmem>>)
    %add3A_37 = arith.constant 256 : i32
    %add3A_38 = arith.addi %mul3A_2, %add3A_37 : i32
    "tpu.region"() ({
      %run_scoped3A = tpu.sem_alloc : memref<!tpu.dma_semaphore, #tpu.memory_space<semaphore_mem>>
      %dma_start3A = arith.constant 0 : i32
      %dma_start3A_39 = tpu.memref_slice %arg6[%add3A_38, %dma_start3A] : memref<16384x32xf32, #tpu.memory_space<hbm>> -> memref<256x32xf32, #tpu.memory_space<hbm>>
      %dma_start3A_40 = arith.constant 0 : i32
      %dma_start3A_41 = tpu.memref_slice %arg6[%add3A_38, %dma_start3A_40] : memref<16384x32xf32, #tpu.memory_space<hbm>> -> memref<256x32xf32, #tpu.memory_space<hbm>>
      tpu.enqueue_dma source(%arg10 : memref<256x32xf32, #tpu.memory_space<vmem>>) target(%dma_start3A_41 : memref<256x32xf32, #tpu.memory_space<hbm>>) target_semaphore(%run_scoped3A : memref<!tpu.dma_semaphore, #tpu.memory_space<semaphore_mem>>)
      %dma_wait3A_42 = arith.constant 0 : i32
      %dma_wait3A_43 = tpu.memref_slice %arg6[%add3A_38, %dma_wait3A_42] : memref<16384x32xf32, #tpu.memory_space<hbm>> -> memref<256x32xf32, #tpu.memory_space<hbm>>
      %dma_wait3A_44 = arith.constant 0 : i32
      %dma_wait3A_45 = tpu.memref_slice %arg6[%add3A_38, %dma_wait3A_44] : memref<16384x32xf32, #tpu.memory_space<hbm>> -> memref<256x32xf32, #tpu.memory_space<hbm>>
      tpu.wait_dma2 semaphore(%run_scoped3A : memref<!tpu.dma_semaphore, #tpu.memory_space<semaphore_mem>>) src(%arg10 : memref<256x32xf32, #tpu.memory_space<vmem>>) dst(%dma_wait3A_45 : memref<256x32xf32, #tpu.memory_space<hbm>>)
      tpu.yield
    }) : () -> ()
    "tpu.region"() ({
      %run_scoped3A = tpu.sem_alloc : memref<!tpu.dma_semaphore, #tpu.memory_space<semaphore_mem>>
      %dma_start3A = arith.constant 0 : i32
      %dma_start3A_39 = tpu.memref_slice %arg7[%add3A_38, %dma_start3A] : memref<16384x64xf32, #tpu.memory_space<hbm>> -> memref<256x64xf32, #tpu.memory_space<hbm>>
      %dma_start3A_40 = arith.constant 0 : i32
      %dma_start3A_41 = tpu.memref_slice %arg7[%add3A_38, %dma_start3A_40] : memref<16384x64xf32, #tpu.memory_space<hbm>> -> memref<256x64xf32, #tpu.memory_space<hbm>>
      tpu.enqueue_dma source(%arg11 : memref<256x64xf32, #tpu.memory_space<vmem>>) target(%dma_start3A_41 : memref<256x64xf32, #tpu.memory_space<hbm>>) target_semaphore(%run_scoped3A : memref<!tpu.dma_semaphore, #tpu.memory_space<semaphore_mem>>)
      %dma_wait3A_42 = arith.constant 0 : i32
      %dma_wait3A_43 = tpu.memref_slice %arg7[%add3A_38, %dma_wait3A_42] : memref<16384x64xf32, #tpu.memory_space<hbm>> -> memref<256x64xf32, #tpu.memory_space<hbm>>
      %dma_wait3A_44 = arith.constant 0 : i32
      %dma_wait3A_45 = tpu.memref_slice %arg7[%add3A_38, %dma_wait3A_44] : memref<16384x64xf32, #tpu.memory_space<hbm>> -> memref<256x64xf32, #tpu.memory_space<hbm>>
      tpu.wait_dma2 semaphore(%run_scoped3A : memref<!tpu.dma_semaphore, #tpu.memory_space<semaphore_mem>>) src(%arg11 : memref<256x64xf32, #tpu.memory_space<vmem>>) dst(%dma_wait3A_45 : memref<256x64xf32, #tpu.memory_space<hbm>>)
      tpu.yield
    }) : () -> ()
    return
  }
}

module attributes {stable_mosaic.version = 14 : i64} {
  func.func @body(%arg0: i32, %arg1: memref<2048x32xf32, #tpu.memory_space<vmem>>, %arg2: memref<2048x64xf32, #tpu.memory_space<vmem>>, %arg3: memref<32x128xf32, #tpu.memory_space<vmem>>, %arg4: memref<64x128xf32, #tpu.memory_space<vmem>>, %arg5: memref<1x128xf32, #tpu.memory_space<vmem>>, %arg6: memref<2048x128xf32, #tpu.memory_space<vmem>>) attributes {dimension_semantics = [#tpu.dimension_semantics<arbitrary>], iteration_bounds = array<i64: 8>, scalar_prefetch = 0 : i64, scratch_operands = 0 : i64, tpu.core_type = #tpu.core_type<tc>, window_params = [{transform_indices = @transform_0, window_bounds = array<i64: 2048, 32>}, {transform_indices = @transform_1, window_bounds = array<i64: 2048, 64>}, {pipeline_mode = #tpu.pipeline_mode<synchronous>, transform_indices = @transform_2, window_bounds = array<i64: 32, 128>}, {pipeline_mode = #tpu.pipeline_mode<synchronous>, transform_indices = @transform_3, window_bounds = array<i64: 64, 128>}, {pipeline_mode = #tpu.pipeline_mode<synchronous>, transform_indices = @transform_4, window_bounds = array<i64: 1, 128>}, {transform_indices = @transform_5, window_bounds = array<i64: 2048, 128>}]} {
    %get3A = arith.constant 0 : index
    %get3A_0 = arith.constant 0 : index
    %get3A_1 = vector.load %arg1[%get3A, %get3A_0] : memref<2048x32xf32, #tpu.memory_space<vmem>>, vector<2048x32xf32>
    %get3A_2 = arith.constant 0 : index
    %get3A_3 = arith.constant 0 : index
    %get3A_4 = vector.load %arg3[%get3A_2, %get3A_3] : memref<32x128xf32, #tpu.memory_space<vmem>>, vector<32x128xf32>
    %dot_general3A = arith.constant dense<0.000000e+00> : vector<2048x128xf32>
    %dot_general3A_5 = tpu.matmul %get3A_1, %get3A_4, %dot_general3A {dimension_numbers = #tpu.dot_dimension_numbers<[1], [0], [0], [1], [0, 0, 1, 1], [], []>, transpose_lhs_hint = false} : vector<2048x32xf32>, vector<32x128xf32>, vector<2048x128xf32> -> vector<2048x128xf32>
    %get3A_6 = arith.constant 0 : index
    %get3A_7 = arith.constant 0 : index
    %get3A_8 = vector.load %arg2[%get3A_6, %get3A_7] : memref<2048x64xf32, #tpu.memory_space<vmem>>, vector<2048x64xf32>
    %get3A_9 = arith.constant 0 : index
    %get3A_10 = arith.constant 0 : index
    %get3A_11 = vector.load %arg4[%get3A_9, %get3A_10] : memref<64x128xf32, #tpu.memory_space<vmem>>, vector<64x128xf32>
    %dot_general3A_12 = arith.constant dense<0.000000e+00> : vector<2048x128xf32>
    %dot_general3A_13 = tpu.matmul %get3A_8, %get3A_11, %dot_general3A_12 {dimension_numbers = #tpu.dot_dimension_numbers<[1], [0], [0], [1], [0, 0, 1, 1], [], []>, transpose_lhs_hint = false} : vector<2048x64xf32>, vector<64x128xf32>, vector<2048x128xf32> -> vector<2048x128xf32>
    %add3A = arith.addf %dot_general3A_5, %dot_general3A_13 : vector<2048x128xf32>
    %get3A_14 = arith.constant 0 : index
    %get3A_15 = arith.constant 0 : index
    %get3A_16 = vector.load %arg5[%get3A_14, %get3A_15] : memref<1x128xf32, #tpu.memory_space<vmem>>, vector<1x128xf32>
    %add3A_17 = vector.broadcast %get3A_16 : vector<1x128xf32> to vector<2048x128xf32>
    %add3A_18 = arith.addf %add3A, %add3A_17 : vector<2048x128xf32>
    %max3A = arith.constant 0.000000e+00 : f32
    %max3A_19 = vector.broadcast %max3A : f32 to vector<2048x128xf32>
    %max3A_20 = arith.maximumf %add3A_18, %max3A_19 : vector<2048x128xf32>
    %swap3A = arith.constant 0 : index
    %swap3A_21 = arith.constant 0 : index
    %swap3A_22 = vector.load %arg6[%swap3A, %swap3A_21] : memref<2048x128xf32, #tpu.memory_space<vmem>>, vector<2048x128xf32>
    tpu.vector_store %arg6[%swap3A, %swap3A_21], %max3A_20 {strides = array<i32>} : memref<2048x128xf32, #tpu.memory_space<vmem>>, vector<2048x128xf32>,
    return
  }
  func.func @transform_0(%arg0: i32) -> (i32, i32) {
    %c0_i32 = arith.constant 0 : i32
    %c0_i32_0 = arith.constant 0 : i32
    return %arg0, %c0_i32 : i32, i32
  }
  func.func @transform_1(%arg0: i32) -> (i32, i32) {
    %c0_i32 = arith.constant 0 : i32
    %c0_i32_0 = arith.constant 0 : i32
    return %arg0, %c0_i32 : i32, i32
  }
  func.func @transform_2(%arg0: i32) -> (i32, i32) {
    %c0_i32 = arith.constant 0 : i32
    %c0_i32_0 = arith.constant 0 : i32
    %c0_i32_1 = arith.constant 0 : i32
    return %c0_i32, %c0_i32_0 : i32, i32
  }
  func.func @transform_3(%arg0: i32) -> (i32, i32) {
    %c0_i32 = arith.constant 0 : i32
    %c0_i32_0 = arith.constant 0 : i32
    %c0_i32_1 = arith.constant 0 : i32
    return %c0_i32, %c0_i32_0 : i32, i32
  }
  func.func @transform_4(%arg0: i32) -> (i32, i32) {
    %c0_i32 = arith.constant 0 : i32
    %c0_i32_0 = arith.constant 0 : i32
    %c0_i32_1 = arith.constant 0 : i32
    return %c0_i32, %c0_i32_0 : i32, i32
  }
  func.func @transform_5(%arg0: i32) -> (i32, i32) {
    %c0_i32 = arith.constant 0 : i32
    %c0_i32_0 = arith.constant 0 : i32
    return %arg0, %c0_i32 : i32, i32
  }
}

</mosaic_0001>

<sc_bundles>
// kernel: kernel.4.cloned.1.call-start
scs
__scs_entry_jumppad:
0x0: {  	(pc) =	sbr.rel $0x88, $3  }
0x1: {  	(tag) =	ssettag $0x0;
	lr =	simm.s32 $0x1  }
0x2: {  	[smem:$0x3F9C] =	sst lr;
	_ =	strace $0xD0000000  }
0x3: {  	_ = 	snop  }
0x4: {  	_ = 	snop  }
0x5: {  	_ = 	snop  }
0x6: {  	_ = 	snop  }
0x7: {  	_ = 	snop  }
__scs_overlays_trampoline_lowered:
0x8: {  	[smem:$0x3FAB] =	sst s0  }
0x9: {  	[smem:$0x3FAC] =	sst s1  }
0xa: {  	[smem:$0x3FAD] =	sst s2  }
0xb: {  	[smem:$0x3FAE] =	sst s3  }
0xc: {  	[smem:$0x3FAF] =	sst s4  }
0xd: {  	[smem:$0x3FB0] =	sst s5  }
0xe: {  	[smem:$0x3FB1] =	sst s6  }
0xf: {  	[smem:$0x3FB2] =	sst s7  }
0x10: {  	[smem:$0x3FB3] =	sst s8  }
0x11: {  	[smem:$0x3FB4] =	sst s9;
	s0 =	simm.s32 @!p0 $0x0  }
0x12: {  	s1 =	sld [smem:$0x3F9A];
	s0 =	simm.s32 @p0 $0x1  }
0x13: {  	[smem:$0x3FB5] =	sst s0;
	s0 =	simm.s32 @!p1 $0x0  }
0x14: {  	s2 =	sld [smem:$0x3F99];
	s0 =	simm.s32 @p1 $0x1  }
0x15: {  	[smem:$0x3FB6] =	sst s0;
	s0 =	simm.s32 @!p2 $0x0  }
0x16: {  	s3 =	sld [smem:$0x3FDB];
	s0 =	simm.s32 @p2 $0x1  }
0x17: {  	s4 =	simm.s32 $0x1BF5;
	[smem:$0x3FB8] =	sst s0  }
0x18: {  	s0 =	sld [smem:$0x3F9B];
	_ =	swait.ge [sflag:s4], $0x0  }
0x19: {  	s7 =	sld [smem:$0x3F9C]  }
0x1a: {  	s8 =	sadd.s32 $0xFFFFE003, lr  }
0x1b: {  	s9 =	sadd.s32 $0xFFFFFEF7, lr;
	s5 =	simm.s32 $0xFFFFFFFF;
	p2 =	slt.u32 s8, $0xFFFFF086  }
0x1c: {  	p1 =	slt.u32 s9, $0xF7A;
	s5 =	simm.s32 @!p2 $0x0  }
0x1d: {  	s5 =	simm.s32 @p1 $0x1;
	p0 =	seq.s32 s7, s2  }
0x1e: {  	s7 =	smul.u32 @!p0 $0xF7A, s2;
	p2 =	seq.s32 @!p0 s5, $0x0  }
0x1f: {  	s9 =	smul.u32 $0xF7A, s1;
	s8 =	simm.s32 @!p0 $0x1BF5;
	p2 =	por !p2, p0  }
0x20: {  	[sflag:s8] =	ssyncset.s32 @!p0 $0xFFFFF086;
	s6 =	sadd.s32 @!p0 s3, s7;
	s7 =	simm.s32 @!p0 $0x108  }
0x21: {  	s3 =	sadd.s32 s3, s9;
	s6 =	sadd.s32 @!p0 $0x88, s6;
	s7 =	simm.s32 @p2 $0x1082  }
0x22: {  	[simem:s7], [sflag:s8] =	dma.local @!p0 [hbm:s6], $0xF7A  }
0x23: {  	s9 =	sor.u32 $0xD0000000, s2;
	s6 =	simm.s32 $0x108;
	_ =	swait.ge @!p0 [sflag:s8], $0x0  }
0x24: {  	s3 =	sadd.s32 $0x88, s3;
	s6 =	simm.s32 @!p1 $0x1082;
	[sflag:s4] =	ssyncset.s32 $0xFFFFF086  }
0x25: {  	[simem:s6], [sflag:s4] =	dma.local [hbm:s3], $0xF7A  }
0x26: {  	[smem:$0x3F9C] =	sst s1;
	(tag) =	ssettag s2;
	_ =	strace s9  }
0x27: {  	s1 =	sld [smem:$0x3FAC]  }
0x28: {  	s2 =	sld [smem:$0x3FAD]  }
0x29: {  	s4 =	sld [smem:$0x3FAF]  }
0x2a: {  	p0 =	seq.s32 s5, $0x0;
	s5 =	sld [smem:$0x3FB0]  }
0x2b: {  	s6 =	sld [smem:$0x3FB1]  }
0x2c: {  	s7 =	sld [smem:$0x3FB2]  }
0x2d: {  	s3 =	simm.s32 $0x108;
	s8 =	sld [smem:$0x3FB3]  }
0x2e: {  	s3 =	simm.s32 @!p0 $0x1082;
	s9 =	sld [smem:$0x3FB4]  }
0x2f: {  	lr =	sadd.s32 s0, s3;
	s0 =	sld [smem:$0x3FAB]  }
0x30: {  	s3 =	sld [smem:$0x3FAE]  }
0x31: {  	[smem:$0x3FB7] =	sst s10  }
0x32: {  	s10 =	sld [smem:$0x3FB5];
	_ =	sdelay $0x3  }
0x33: {  	p0 =	seq.s32 s10, $0x1;
	s10 =	sld [smem:$0x3FB7];
	_ =	sdelay $0x3  }
0x34: {  	[smem:$0x3FB7] =	sst s10  }
0x35: {  	s10 =	sld [smem:$0x3FB6];
	_ =	sdelay $0x3  }
0x36: {  	p1 =	seq.s32 s10, $0x1;
	s10 =	sld [smem:$0x3FB7];
	_ =	sdelay $0x3  }
0x37: {  	[smem:$0x3FB7] =	sst s10  }
0x38: {  	s10 =	sld [smem:$0x3FB8]  }
0x39: {  	_ = 	snop;
	(pc) =	sbr.ind lr, $3  }
0x3a: {  	_ = 	snop  }
0x3b: {  	_ = 	snop  }
0x3c: {  	p2 =	seq.s32 s10, $0x1;
	s10 =	sld [smem:$0x3FB7]  }
0x3d: {  	_ =	shalt  }
0x3e: {  	_ =	shalt  }
0x3f: {  	_ =	shalt  }
0x40: {  	_ =	shalt  }
0x41: {  	_ =	shalt  }
0x42: {  	_ =	shalt  }
0x43: {  	_ =	shalt  }
0x44: {  	_ =	shalt  }
0x45: {  	_ =	shalt  }
0x46: {  	_ =	shalt  }
0x47: {  	_ =	shalt  }
0x48: {  	_ =	shalt  }
0x49: {  	_ =	shalt  }
0x4a: {  	_ =	shalt  }
0x4b: {  	_ =	shalt  }
0x4c: {  	_ =	shalt  }
0x4d: {  	_ =	shalt  }
0x4e: {  	_ =	shalt  }
0x4f: {  	_ =	shalt  }
0x50: {  	_ =	shalt  }
0x51: {  	_ =	shalt  }
0x52: {  	_ =	shalt  }
0x53: {  	_ =	shalt  }
0x54: {  	_ =	shalt  }
0x55: {  	_ =	shalt  }
0x56: {  	_ =	shalt  }
0x57: {  	_ =	shalt  }
0x58: {  	_ =	shalt  }
0x59: {  	_ =	shalt  }
0x5a: {  	_ =	shalt  }
0x5b: {  	_ =	shalt  }
0x5c: {  	_ =	shalt  }
0x5d: {  	_ =	shalt  }
0x5e: {  	_ =	shalt  }
0x5f: {  	_ =	shalt  }
0x60: {  	_ =	shalt  }
0x61: {  	_ =	shalt  }
0x62: {  	_ =	shalt  }
0x63: {  	_ =	shalt  }
0x64: {  	_ =	shalt  }
0x65: {  	_ =	shalt  }
0x66: {  	_ =	shalt  }
0x67: {  	_ =	shalt  }
0x68: {  	_ =	shalt  }
0x69: {  	_ =	shalt  }
0x6a: {  	_ =	shalt  }
0x6b: {  	_ =	shalt  }
0x6c: {  	_ =	shalt  }
0x6d: {  	_ =	shalt  }
0x6e: {  	_ =	shalt  }
0x6f: {  	_ =	shalt  }
0x70: {  	_ =	shalt  }
0x71: {  	_ =	shalt  }
0x72: {  	_ =	shalt  }
0x73: {  	_ =	shalt  }
0x74: {  	_ =	shalt  }
0x75: {  	_ =	shalt  }
0x76: {  	_ =	shalt  }
0x77: {  	_ =	shalt  }
0x78: {  	_ =	shalt  }
0x79: {  	_ =	shalt  }
0x7a: {  	_ =	shalt  }
0x7b: {  	_ =	shalt  }
0x7c: {  	_ =	shalt  }
0x7d: {  	_ =	shalt  }
0x7e: {  	_ =	shalt  }
0x7f: {  	_ =	shalt  }
0x80: {  	_ =	shalt  }
0x81: {  	_ =	shalt  }
0x82: {  	_ =	shalt  }
0x83: {  	_ =	shalt  }
0x84: {  	_ =	shalt  }
0x85: {  	_ =	shalt  }
0x86: {  	_ =	shalt  }
0x87: {  	_ =	shalt  }
.Lfunc_end0:
.L_simem_size_0:
called_computation_lowered:
.L_overlay_start_0:
0x88: {  	s2 =	sld [smem:$0x3FD9]  }
0x89: {  	s3 =	sld [smem:$0x3FFE];
	_ =	sdelay $0x1  }
0x8a: {  	s1 =	srdreg.scid  }
0x8b: {  	s0 =	sand.u32 $0x1, s1  }
0x8c: {  	s17 =	sshll.u32 s0, $0xA;
	s2 =	sadd.s32 s3, s2  }
0x8d: {  	s2 =	sadd.s32 s2, s17  }
0x8e: {  	[smem:$0x3FC3] =	sst s2  }
0x8f: {  	_ = 	snop  }
0x90: {  	s2 =	sld [smem:$0x3FD0];
	(tm) =	ssettm $0x1  }
0x91: {  	s18 =	sld [smem:$0x3FFB];
	_ =	sdelay $0x3  }
0x92: {  	_ =	strace s18  }
0x93: {  	s3 =	sld [smem:$0x3FFC];
	_ =	sdelay $0x3  }
0x94: {  	_ =	strace s3  }
0x95: {  	s3 =	sld [smem:$0x3FFD];
	_ =	sdelay $0x3  }
0x96: {  	_ =	strace s3  }
0x97: {  	_ =	strace $0x8FFFFFFF  }
0x98: {  	s19 =	sld [smem:$0x3FDB];
	_ =	sdelay $0x1  }
0x99: {  	s4 =	simm.s32 $_scs_section_size  }
0x9a: {  	s5 =	simm.s32 $_size__tile_overlayer_lowered;
	s6 =	simm.s32 $_tile_overlayer_lowered  }
0x9b: {  	s22 =	simm.s32 $0x1BFF;
	s21 =	sshll.u32 s6, $0x1;
	s3 =	sadd.s32 s4, s19  }
0x9c: {  	s7 =	simm.s32 $0x0;
	s20 =	sshll.u32 s5, $0x1;
	s5 =	sadd.s32 s21, s3  }
0x9d: {  	[timem:s7], [sflag:s22] =	dma.local [hbm:s5], s20  }
0x9e: {  	_ =	swait.ge [sflag:s22], s20  }
0x9f: {  	s4 =	ssub.s32 $0x0, s20;
	[sflag:s22] =	ssyncset.done $0x0  }
0xa0: {  	[sflag:s22] =	ssyncadd.s32 s4;
	_ =	sdelay $0x1  }
0xa1: {  	s23 =	simm.s32 $0x1B8B  }
0xa2: {  	_ =	swait.ge [sflag:s23], $0x1  }
0xa3: {  	[sflag:s23] =	ssyncset.done $0x0  }
0xa4: {  	s25 =	simm.s32 $0x1B8E;
	s24 =	sld [smem:$0x3FFE];
	[sflag:s23] =	ssyncadd.s32 $0xFFFFFFFF  }
0xa5: {  	s26 =	simm.s32 $execute0_lowered;
	[smem:$0x3FD2] =	sst s25  }
0xa6: {  	s5 =	sshll.u32 s26, $0x1;
	_ =	strace $0x80000046;
	[dreg:$0x1] =	wrdreg $0xFFFFFFFF  }
0xa7: {  	s28 =	simm.s32 $_size_execute0_lowered;
	s3 =	sadd.s32 s3, s5;
	[dreg:$0x0] =	wrdreg $0x0  }
0xa8: {  	s5 =	sshll.u32 s28, $0x1;
	[dreg:$0x2] =	wrdreg s3  }
0xa9: {  	[dreg:$0x3] =	wrdreg s5  }
0xaa: {  	[dreg:$0x4] =	wrdreg $0xC0  }
0xab: {  	_ =	task [dreg:s7], $0x5FFFF  }
0xac: {  	[dreg:$0x1] =	wrdreg $0xFFFFFFFF  }
0xad: {  	[dreg:$0x0] =	wrdreg $0x60  }
0xae: {  	[dreg:$0x2] =	wrdreg s24  }
0xaf: {  	[dreg:$0x3] =	wrdreg s2  }
0xb0: {  	[dreg:$0x4] =	wrdreg $0x9  }
0xb1: {  	_ =	task.clear_ibuf [dreg:s7], $0x5FFFF;
	_ =	strace $0x90000046  }
0xb2: {  	s29 =	simm.s32 $0x9;
	_ =	strace $0x80000048  }
0xb3: {  	_ =	swait.ge [sflag:s29], $0x1  }
0xb4: {  	[sflag:s29] =	ssyncadd.s32 $0xFFFFFFFF  }
0xb5: {  	_ =	strace $0x90000048  }
0xb6: {  	_ =	sfence  }
0xb7: {  	s30 =	sld [smem:$0x0];
	_ =	sdelay $0x2  }
0xb8: {  	s31 =	sshll.u32 s1, $0xD;
	s1 =	sshrl.u32 s1, $0x2  }
0xb9: {  	s3 =	sand.u32 $0x4000, s31;
	s1 =	sadd.s32 s1, s30  }
0xba: {  	s0 =	sor.u32 s3, s0;
	s1 =	sshll.u32 s1, $0x11  }
0xbb: {  	s0 =	sor.u32 s1, s0  }
0xbc: {  	s0 =	sadd.s32 $0x8F2B, s0  }
0xbd: {  	[sflag:s0] =	ssyncadd.remote.s32 $0x1  }
0xbe: {  	_ =	sfence.sel $0xFFFF  }
0xbf: {  	[dreg:$0x0] =	wrdreg $0xFFFFFFFF;
	(pc) =	sbr.abs _section_cstart, $3  }
0xc0: {  	[dreg:$0x1] =	wrdreg $0xFFFFFFFF  }
0xc1: {  	_ =	task.clear_ibuf [dreg:s7], $0x2FFFF;
	_ =	strace $0x9FFFFFFF  }
0xc2: {  	(tm) =	ssettm $0x7FFFFFFF  }
0xc3: {  	_ =	shalt  }
tec
execute0_lowered:
.L_overlay_start_1:
0x0: {  	(tag) =	ssettag $0x1  }
0x1: {  	s0 =	rddreg [dreg:$0x0]  }
0x2: {  	s1 =	rddreg [dreg:$0x1];
	s3 =	srdreg.scid  }
0x3: {  	s2 =	simm.s32 $0x0;
	s5 =	stileid.u32;
	s4 =	sand.u32 $0x1, s3  }
0x4: {  	[smem:$0x7FF] =	sst s2;
	s5 =	sshll.u32 s5, $0xA;
	s6 =	sshll.u32 s4, $0x9  }
0x5: {  	s3 =	sadd.s32 $0xF44800, s0;
	s26 =	ssub.s32 $0x2, s4;
	s5 =	sor.u32 s6, s5  }
0x6: {  	s8 =	sshrl.u32 s26, $0x1;
	s7 =	sshrl.u32 s5, $0x3;
	s5 =	sshll.u32 s5, $0x4  }
0x7: {  	_ =	strace $0x80000047;
	s6 =	ssub.s32 s26, s8;
	s29 =	sadd.s32 s1, s5  }
0x8: {  	s7 =	sadd.s32 s7, s0;
	s31 =	smax.u32 s6, $0x1;
	[dreg:$0x17] =	wrdreg s29  }
0x9: {  	s4 =	sadd.s32 $0x2400, s0;
	s28 =	sadd.s32 $0x1C00, s7;
	[dreg:$0x1b] =	wrdreg s31  }
0xa: {  	s0 =	sadd.s32 $0xF4FC00, s0;
	s7 =	sadd.s32 $0x1400, s7;
	[dreg:$0x15] =	wrdreg s28  }
0xb: {  	s30 =	sadd.s32 s0, s5;
	s5 =	sor.u32 $0x1000, s5;
	[dreg:$0x16] =	wrdreg s7  }
0xc: {  	[dreg:$0x18] =	wrdreg s30;
	s1 =	sadd.s32 s1, s5  }
0xd: {  	s0 =	sadd.s32 s0, s5;
	[dreg:$0x19] =	wrdreg s1  }
0xe: {  	s5 =	simm.s32 $0x3;
	[dreg:$0x1a] =	wrdreg s0;
	s1 =	simm.s32 $0x0  }
.LBB2_1:
0xf: {  	[dreg:$0x1c] =	wrdreg s1  }
0x10: {  	s0 =	rddreg [dreg:$0x15]  }
0x11: {  	[tilespmem:s2], [sflag:$0x3] =	stream.linear.gather [hbm4b:s0+s2], $0x200, $0x38;
	[tilespmem:$0x10400] =	vst v63  }
0x12: {  	_ =	swait.ge [sflag:s5], $0x200  }
0x13: {  	[sflag:s5] =	ssyncset.done $0x0  }
0x14: {  	s12 =	simm.s32 $0x200;
	s13 =	rddreg [dreg:$0x16];
	[sflag:s5] =	ssyncadd.s32 $0xFFFFFE00  }
0x15: {  	[tilespmem:s12], [sflag:$0x3] =	stream.linear.gather [hbm4b:s13+s2], $0x200, $0x38;
	[tilespmem:$0x10400] =	vst v63  }
0x16: {  	_ =	swait.ge [sflag:s5], $0x200  }
0x17: {  	[sflag:s5] =	ssyncset.done $0x0  }
0x18: {  	[sflag:s5] =	ssyncadd.s32 $0xFFFFFE00  }
0x19: {  	v0 =	vld [tilespmem:s2+$0x0]  }
0x1a: {  	v2 =	vld [tilespmem:s12+$0x0];
	_ =	sdelay $0x3  }
0x1b: {  	v1 =	vshll.u32 v0, $0x4  }
0x1c: {  	v63 =	vshll.u32 v2, $0x4;
	(v2sf) =	vpush v1, $0x0  }
0x1d: {  	(v2sf) =	vpush v63, $0x0;
	_ =	sdelay $0x2  }
0x1e: {  	(v2sf) =	vpush v1, $0x1  }
0x1f: {  	(v2sf) =	vpush v63, $0x1;
	_ =	sdelay $0x1  }
0x20: {  	(v2sf) =	vpush v1, $0x2;
	_ =	sdelay $0x1  }
0x21: {  	(v2sf) =	vpush v63, $0x2;
	_ =	sdelay $0x1  }
0x22: {  	s19 =	simm.s32 $0x2000;
	(v2sf) =	vpush v1, $0x3  }
0x23: {  	s18 =	simm.s32 $0x0;
	s6 =	simm.s32 $0x8400;
	s1 =	simm.s32 $0x880  }
0x24: {  	s7 =	simm.s32 $0x400;
	s9 =	simm.s32 $0x600;
	s10 =	simm.s32 $0x580  }
0x25: {  	s16 =	simm.s32 $0x480;
	s21 =	simm.s32 $0x8480;
	s23 =	simm.s32 $0x500  }
0x26: {  	s26 =	simm.s32 $0x8500;
	s28 =	simm.s32 $0xA00;
	s8 =	spop (v2sf);
	(v2sf) =	vpush v63, $0x3  }
0x27: {  	s0 =	simm.s32 $0x8900;
	s8 =	sand.u32 $0x1FFFFFF0, s8;
	s11 =	spop (v2sf)  }
0x28: {  	s5 =	simm.s32 $0x680;
	(v2sf) =	vpush v1, $0x4;
	s8 =	sadd.s32 s3, s8;
	s14 =	sand.u32 $0x1FFFFFF0, s11  }
0x29: {  	(v2sf) =	vpush v63, $0x4;
	[tilespmem:s7], [sflag:$0x1] =	stream.linear.gather [hbm4b:s8+s2], $0x80, $0x38;
	[tilespmem:$0x10400] =	vst v63  }
0x2a: {  	s15 =	spop (v2sf);
	s7 =	simm.s32 $0x8580;
	s8 =	sadd.s32 s4, s14  }
0x2b: {  	s11 =	sand.u32 $0x1FFFFFF0, s15;
	s12 =	spop (v2sf);
	s14 =	simm.s32 $0x8600  }
0x2c: {  	(v2sf) =	vpush v1, $0x5;
	[tilespmem:s6], [sflag:$0x2] =	stream.linear.gather [hbm4b:s8+s2], $0x80, $0x38;
	[tilespmem:$0x10400] =	vst v63  }
0x2d: {  	s17 =	sadd.s32 s3, s11;
	s20 =	sand.u32 $0x1FFFFFF0, s12;
	s22 =	spop (v2sf);
	(v2sf) =	vpush v63, $0x5  }
0x2e: {  	[tilespmem:s16], [sflag:$0x1] =	stream.linear.gather [hbm4b:s17+s2], $0x80, $0x38;
	[tilespmem:$0x10400] =	vst v63  }
0x2f: {  	s11 =	sadd.s32 s4, s20;
	(v2sf) =	vpush v1, $0x6;
	s8 =	sand.u32 $0x1FFFFFF0, s22;
	s24 =	spop (v2sf)  }
0x30: {  	[tilespmem:s21], [sflag:$0x2] =	stream.linear.gather [hbm4b:s11+s2], $0x80, $0x38;
	[tilespmem:$0x10400] =	vst v63  }
0x31: {  	s8 =	sadd.s32 s3, s8;
	s25 =	spop (v2sf);
	s11 =	sand.u32 $0x1FFFFFF0, s24  }
0x32: {  	[tilespmem:s23], [sflag:$0x1] =	stream.linear.gather [hbm4b:s8+s2], $0x80, $0x38;
	[tilespmem:$0x10400] =	vst v63  }
0x33: {  	s12 =	simm.s32 $0x8A00;
	(v2sf) =	vpush v63, $0x6;
	s30 =	sand.u32 $0x1FFFFFF0, s25;
	s29 =	sadd.s32 s4, s11  }
0x34: {  	[tilespmem:s26], [sflag:$0x2] =	stream.linear.gather [hbm4b:s29+s2], $0x80, $0x38;
	[tilespmem:$0x10400] =	vst v63  }
0x35: {  	s13 =	sadd.s32 s3, s30;
	s21 =	simm.s32 $0x8680;
	s31 =	spop (v2sf)  }
0x36: {  	[tilespmem:s10], [sflag:$0x1] =	stream.linear.gather [hbm4b:s13+s2], $0x80, $0x38;
	[tilespmem:$0x10400] =	vst v63  }
0x37: {  	s23 =	simm.s32 $0x700;
	(v2sf) =	vpush v1, $0x7;
	s6 =	sand.u32 $0x1FFFFFF0, s31;
	s15 =	spop (v2sf)  }
0x38: {  	s6 =	sadd.s32 s4, s6;
	s10 =	sand.u32 $0x1FFFFFF0, s15;
	s16 =	spop (v2sf)  }
0x39: {  	(v2sf) =	vpush v63, $0x7;
	[tilespmem:s7], [sflag:$0x2] =	stream.linear.gather [hbm4b:s6+s2], $0x80, $0x38;
	[tilespmem:$0x10400] =	vst v63  }
0x3a: {  	s13 =	simm.s32 $0xA80;
	(v2sf) =	vpush v1, $0x8;
	s17 =	sadd.s32 s3, s10;
	s20 =	sand.u32 $0x1FFFFFF0, s16  }
0x3b: {  	s22 =	spop (v2sf);
	s10 =	simm.s32 $0x8A80;
	s7 =	sadd.s32 s4, s20  }
0x3c: {  	(v2sf) =	vpush v63, $0x8;
	s24 =	sand.u32 $0x1FFFFFF0, s22;
	s25 =	spop (v2sf);
	s22 =	simm.s32 $0x8780  }
0x3d: {  	[tilespmem:s9], [sflag:$0x1] =	stream.linear.gather [hbm4b:s17+s2], $0x80, $0x38;
	[tilespmem:$0x10400] =	vst v63  }
0x3e: {  	(v2sf) =	vpush v1, $0x9;
	s8 =	sadd.s32 s3, s24;
	s9 =	sand.u32 $0x1FFFFFF0, s25;
	s26 =	spop (v2sf)  }
0x3f: {  	[tilespmem:s14], [sflag:$0x2] =	stream.linear.gather [hbm4b:s7+s2], $0x80, $0x38;
	[tilespmem:$0x10400] =	vst v63  }
0x40: {  	(v2sf) =	vpush v63, $0x9;
	s17 =	simm.s32 $0x780;
	s24 =	simm.s32 $0x800;
	s29 =	sadd.s32 s4, s9  }
0x41: {  	[tilespmem:s5], [sflag:$0x1] =	stream.linear.gather [hbm4b:s8+s2], $0x80, $0x38;
	[tilespmem:$0x10400] =	vst v63  }
0x42: {  	s30 =	sand.u32 $0x1FFFFFF0, s26;
	s31 =	spop (v2sf);
	(v2sf) =	vpush v1, $0xA;
	s9 =	simm.s32 $0x8880  }
0x43: {  	[tilespmem:s21], [sflag:$0x2] =	stream.linear.gather [hbm4b:s29+s2], $0x80, $0x38;
	[tilespmem:$0x10400] =	vst v63  }
0x44: {  	s11 =	sadd.s32 s3, s30;
	s14 =	simm.s32 $0x8700;
	(v2sf) =	vpush v63, $0xA;
	s6 =	sand.u32 $0x1FFFFFF0, s31  }
0x45: {  	[tilespmem:s23], [sflag:$0x1] =	stream.linear.gather [hbm4b:s11+s2], $0x80, $0x38;
	[tilespmem:$0x10400] =	vst v63  }
0x46: {  	s6 =	sadd.s32 s4, s6;
	s29 =	simm.s32 $0x8800;
	s15 =	spop (v2sf);
	(v2sf) =	vpush v1, $0xB  }
0x47: {  	[tilespmem:s14], [sflag:$0x2] =	stream.linear.gather [hbm4b:s6+s2], $0x80, $0x38;
	[tilespmem:$0x10400] =	vst v63  }
0x48: {  	s14 =	simm.s32 $0x900;
	s8 =	sand.u32 $0x1FFFFFF0, s15;
	s16 =	spop (v2sf)  }
0x49: {  	s20 =	sadd.s32 s3, s8;
	s21 =	sand.u32 $0x1FFFFFF0, s16;
	s23 =	spop (v2sf)  }
0x4a: {  	(v2sf) =	vpush v63, $0xB;
	[tilespmem:s17], [sflag:$0x1] =	stream.linear.gather [hbm4b:s20+s2], $0x80, $0x38;
	[tilespmem:$0x10400] =	vst v63  }
0x4b: {  	s8 =	sadd.s32 s4, s21;
	s7 =	sand.u32 $0x1FFFFFF0, s23;
	s25 =	spop (v2sf)  }
0x4c: {  	[tilespmem:s22], [sflag:$0x2] =	stream.linear.gather [hbm4b:s8+s2], $0x80, $0x38;
	[tilespmem:$0x10400] =	vst v63  }
0x4d: {  	(v2sf) =	vpush v1, $0xC;
	s7 =	sadd.s32 s3, s7;
	s26 =	spop (v2sf);
	s8 =	sand.u32 $0x1FFFFFF0, s25  }
0x4e: {  	(v2sf) =	vpush v63, $0xC;
	[tilespmem:s24], [sflag:$0x1] =	stream.linear.gather [hbm4b:s7+s2], $0x80, $0x38;
	[tilespmem:$0x10400] =	vst v63  }
0x4f: {  	s31 =	sand.u32 $0x1FFFFFF0, s26;
	s11 =	spop (v2sf);
	s30 =	sadd.s32 s4, s8  }
0x50: {  	[tilespmem:s29], [sflag:$0x2] =	stream.linear.gather [hbm4b:s30+s2], $0x80, $0x38;
	[tilespmem:$0x10400] =	vst v63  }
0x51: {  	s8 =	sadd.s32 s3, s31;
	s15 =	spop (v2sf);
	s7 =	sand.u32 $0x1FFFFFF0, s11  }
0x52: {  	[tilespmem:s1], [sflag:$0x1] =	stream.linear.gather [hbm4b:s8+s2], $0x80, $0x38;
	[tilespmem:$0x10400] =	vst v63  }
0x53: {  	s16 =	spop (v2sf);
	s7 =	sadd.s32 s4, s7;
	s8 =	sand.u32 $0x1FFFFFF0, s15  }
0x54: {  	[tilespmem:s9], [sflag:$0x2] =	stream.linear.gather [hbm4b:s7+s2], $0x80, $0x38;
	[tilespmem:$0x10400] =	vst v63  }
0x55: {  	s20 =	sand.u32 $0x1FFFFFF0, s16;
	s17 =	sadd.s32 s3, s8;
	s21 =	spop (v2sf)  }
0x56: {  	[tilespmem:s14], [sflag:$0x1] =	stream.linear.gather [hbm4b:s17+s2], $0x80, $0x38;
	[tilespmem:$0x10400] =	vst v63  }
0x57: {  	s5 =	simm.s32 $0x8980;
	s22 =	sadd.s32 s4, s20;
	s23 =	sand.u32 $0x1FFFFFF0, s21  }
0x58: {  	[tilespmem:s0], [sflag:$0x2] =	stream.linear.gather [hbm4b:s22+s2], $0x80, $0x38;
	[tilespmem:$0x10400] =	vst v63  }
0x59: {  	s25 =	simm.s32 $0x980;
	(v2sf) =	vpush v1, $0xD;
	s24 =	spop (v2sf);
	s26 =	sadd.s32 s3, s23  }
0x5a: {  	(v2sf) =	vpush v63, $0xD;
	s29 =	sand.u32 $0x1FFFFFF0, s24;
	s23 =	simm.s32 $0x10;
	s24 =	simm.s32 $0x210  }
0x5b: {  	(v2sf) =	vpush v1, $0xE;
	[tilespmem:s25], [sflag:$0x1] =	stream.linear.gather [hbm4b:s26+s2], $0x80, $0x38;
	[tilespmem:$0x10400] =	vst v63  }
0x5c: {  	s30 =	sadd.s32 s4, s29;
	(v2sf) =	vpush v63, $0xE;
	s31 =	spop (v2sf);
	s26 =	simm.s32 $0xB00  }
0x5d: {  	(v2sf) =	vpush v1, $0xF;
	s25 =	simm.s32 $0x8B00;
	s0 =	sand.u32 $0x1FFFFFF0, s31;
	s1 =	spop (v2sf)  }
0x5e: {  	(v2sf) =	vpush v63, $0xF;
	[tilespmem:s5], [sflag:$0x2] =	stream.linear.gather [hbm4b:s30+s2], $0x80, $0x38;
	[tilespmem:$0x10400] =	vst v63  }
.LBB2_2:
0x5f: {  	_ =	sdelay $0x4  }
0x60: {  	s0 =	sadd.s32 s3, s0;
	s1 =	sand.u32 $0x1FFFFFF0, s1  }
0x61: {  	[tilespmem:s28], [sflag:$0x1] =	stream.linear.gather [hbm4b:s0+s2], $0x80, $0x38;
	[tilespmem:$0x10400] =	vst v63  }
0x62: {  	s29 =	sadd.s32 s4, s1  }
0x63: {  	[tilespmem:s12], [sflag:$0x2] =	stream.linear.gather [hbm4b:s29+s2], $0x80, $0x38;
	[tilespmem:$0x10400] =	vst v63  }
0x64: {  	s5 =	spop (v2sf)  }
0x65: {  	s30 =	sand.u32 $0x1FFFFFF0, s5;
	s31 =	spop (v2sf)  }
0x66: {  	s1 =	sadd.s32 s3, s30;
	s5 =	sand.u32 $0x1FFFFFF0, s31;
	s6 =	spop (v2sf)  }
0x67: {  	[tilespmem:s13], [sflag:$0x1] =	stream.linear.gather [hbm4b:s1+s2], $0x80, $0x38;
	[tilespmem:$0x10400] =	vst v63  }
0x68: {  	s7 =	sadd.s32 s4, s5;
	s8 =	sand.u32 $0x1FFFFFF0, s6;
	s9 =	spop (v2sf)  }
0x69: {  	[tilespmem:s10], [sflag:$0x2] =	stream.linear.gather [hbm4b:s7+s2], $0x80, $0x38;
	[tilespmem:$0x10400] =	vst v63  }
0x6a: {  	s11 =	sand.u32 $0x1FFFFFF0, s9;
	s12 =	spop (v2sf);
	s10 =	sadd.s32 s3, s8  }
0x6b: {  	[tilespmem:s26], [sflag:$0x1] =	stream.linear.gather [hbm4b:s10+s2], $0x80, $0x38;
	[tilespmem:$0x10400] =	vst v63  }
0x6c: {  	s13 =	sadd.s32 s4, s11;
	s14 =	sand.u32 $0x1FFFFFF0, s12;
	s15 =	spop (v2sf)  }
0x6d: {  	[tilespmem:s25], [sflag:$0x2] =	stream.linear.gather [hbm4b:s13+s2], $0x80, $0x38;
	[tilespmem:$0x10400] =	vst v63  }
0x6e: {  	s16 =	sadd.s32 $0xB80, s18;
	s1 =	sadd.s32 s3, s14;
	s5 =	sand.u32 $0x1FFFFFF0, s15  }
0x6f: {  	[tilespmem:s16], [sflag:$0x1] =	stream.linear.gather [hbm4b:s1+s2], $0x80, $0x38;
	[tilespmem:$0x10400] =	vst v63  }
0x70: {  	s17 =	sadd.s32 $0x8B80, s18;
	s18 =	sadd.s32 s4, s5  }
0x71: {  	[tilespmem:s17], [sflag:$0x2] =	stream.linear.gather [hbm4b:s18+s2], $0x80, $0x38;
	[tilespmem:$0x10400] =	vst v63  }
0x72: {  	v0 =	vld [tilespmem:s23+$0x0]  }
0x73: {  	v2 =	vld [tilespmem:s24+$0x0];
	_ =	sdelay $0x3  }
0x74: {  	v1 =	vshll.u32 v0, $0x4  }
0x75: {  	s20 =	smov.u32 s19;
	v63 =	vshll.u32 v2, $0x4;
	(v2sf) =	vpush v1, $0x0  }
0x76: {  	s18 =	sshra.s32 s20, $0x2;
	(v2sf) =	vpush v63, $0x0  }
0x77: {  	p0 =	sne.s32 s19, $0x1E000;
	s19 =	sadd.s32 $0x2000, s19;
	s30 =	sadd.s32 $0x8400, s18;
	(v2sf) =	vpush v1, $0x1  }
0x78: {  	s6 =	sadd.s32 $0x680, s18;
	s0 =	sadd.s32 $0x880, s18;
	s29 =	sadd.s32 $0x400, s18  }
0x79: {  	s13 =	sadd.s32 $0x600, s18;
	s21 =	sadd.s32 $0x8900, s18;
	s12 =	sadd.s32 $0x580, s18;
	(v2sf) =	vpush v63, $0x1  }
0x7a: {  	s17 =	sadd.s32 $0x8580, s18;
	s22 =	sadd.s32 $0x8A00, s18;
	s20 =	sadd.s32 $0x500, s18  }
0x7b: {  	s14 =	sadd.s32 $0x8600, s18;
	s5 =	sadd.s32 $0xA80, s18;
	s31 =	sadd.s32 $0x8480, s18;
	(v2sf) =	vpush v1, $0x2  }
0x7c: {  	s11 =	sadd.s32 $0x8680, s18;
	s10 =	sadd.s32 $0x700, s18;
	[dreg:$0x7] =	wrdreg s0  }
0x7d: {  	s25 =	sadd.s32 $0x8980, s18;
	s26 =	sadd.s32 $0x8A80, s18;
	[dreg:$0x3] =	wrdreg s21;
	(v2sf) =	vpush v63, $0x2  }
0x7e: {  	s9 =	sadd.s32 $0x8700, s18;
	s7 =	sadd.s32 $0x8880, s18;
	[dreg:$0x11] =	wrdreg s22  }
0x7f: {  	s8 =	sadd.s32 $0x900, s18;
	s15 =	sadd.s32 $0x8800, s18;
	[dreg:$0x5] =	wrdreg s25;
	(v2sf) =	vpush v1, $0x3  }
0x80: {  	s28 =	sadd.s32 $0xA00, s18;
	s16 =	sadd.s32 $0x800, s18;
	[dreg:$0x13] =	wrdreg s26  }
0x81: {  	s23 =	sadd.s32 $0x10, s23;
	s24 =	sadd.s32 $0x10, s24;
	[dreg:$0xb] =	wrdreg s7;
	(v2sf) =	vpush v63, $0x3  }
0x82: {  	s1 =	sadd.s32 $0x980, s18;
	s0 =	sadd.s32 $0x8500, s18;
	[dreg:$0x9] =	wrdreg s8  }
0x83: {  	s8 =	sadd.s32 $0x780, s18;
	[dreg:$0xd] =	wrdreg s15;
	s15 =	sadd.s32 $0x480, s18;
	(v2sf) =	vpush v1, $0x4  }
0x84: {  	s7 =	sadd.s32 $0x8780, s18;
	[dreg:$0xf] =	wrdreg s16;
	s21 =	spop (v2sf)  }
0x85: {  	s26 =	sadd.s32 $0xB00, s18;
	s21 =	sand.u32 $0x1FFFFFF0, s21;
	s22 =	spop (v2sf);
	(v2sf) =	vpush v63, $0x4  }
0x86: {  	s21 =	sadd.s32 s3, s21;
	s22 =	sand.u32 $0x1FFFFFF0, s22;
	s16 =	spop (v2sf)  }
0x87: {  	(v2sf) =	vpush v1, $0x5;
	[tilespmem:s29], [sflag:$0x1] =	stream.linear.gather [hbm4b:s21+s2], $0x80, $0x38;
	[tilespmem:$0x10400] =	vst v63  }
0x88: {  	s22 =	sadd.s32 s4, s22;
	s16 =	sand.u32 $0x1FFFFFF0, s16;
	s29 =	spop (v2sf);
	(v2sf) =	vpush v63, $0x5  }
0x89: {  	[tilespmem:s30], [sflag:$0x2] =	stream.linear.gather [hbm4b:s22+s2], $0x80, $0x38;
	[tilespmem:$0x10400] =	vst v63  }
0x8a: {  	s16 =	sadd.s32 s3, s16;
	s29 =	sand.u32 $0x1FFFFFF0, s29;
	s30 =	spop (v2sf);
	(v2sf) =	vpush v1, $0x6  }
0x8b: {  	[tilespmem:s15], [sflag:$0x1] =	stream.linear.gather [hbm4b:s16+s2], $0x80, $0x38;
	[tilespmem:$0x10400] =	vst v63  }
0x8c: {  	s21 =	sand.u32 $0x1FFFFFF0, s30;
	s22 =	spop (v2sf);
	(v2sf) =	vpush v63, $0x6;
	s16 =	sadd.s32 s4, s29  }
0x8d: {  	[tilespmem:s31], [sflag:$0x2] =	stream.linear.gather [hbm4b:s16+s2], $0x80, $0x38;
	[tilespmem:$0x10400] =	vst v63  }
0x8e: {  	s29 =	sadd.s32 s3, s21;
	s30 =	sand.u32 $0x1FFFFFF0, s22;
	s31 =	spop (v2sf)  }
0x8f: {  	(v2sf) =	vpush v1, $0x7;
	[tilespmem:s20], [sflag:$0x1] =	stream.linear.gather [hbm4b:s29+s2], $0x80, $0x38;
	[tilespmem:$0x10400] =	vst v63  }
0x90: {  	s21 =	sand.u32 $0x1FFFFFF0, s31;
	s22 =	spop (v2sf);
	s20 =	sadd.s32 s4, s30  }
0x91: {  	(v2sf) =	vpush v63, $0x7;
	[tilespmem:s0], [sflag:$0x2] =	stream.linear.gather [hbm4b:s20+s2], $0x80, $0x38;
	[tilespmem:$0x10400] =	vst v63  }
0x92: {  	s29 =	sadd.s32 s3, s21;
	s30 =	sand.u32 $0x1FFFFFF0, s22;
	s31 =	spop (v2sf)  }
0x93: {  	[tilespmem:s12], [sflag:$0x1] =	stream.linear.gather [hbm4b:s29+s2], $0x80, $0x38;
	[tilespmem:$0x10400] =	vst v63  }
0x94: {  	s21 =	sand.u32 $0x1FFFFFF0, s31;
	s20 =	sadd.s32 s4, s30;
	s22 =	spop (v2sf)  }
0x95: {  	(v2sf) =	vpush v1, $0x8;
	[tilespmem:s17], [sflag:$0x2] =	stream.linear.gather [hbm4b:s20+s2], $0x80, $0x38;
	[tilespmem:$0x10400] =	vst v63  }
0x96: {  	s25 =	sadd.s32 $0x8B00, s18;
	s29 =	sadd.s32 s3, s21;
	s31 =	spop (v2sf)  }
0x97: {  	s12 =	rddreg [dreg:$0x11];
	(v2sf) =	vpush v63, $0x8;
	s30 =	sand.u32 $0x1FFFFFF0, s22;
	s20 =	spop (v2sf)  }
0x98: {  	(v2sf) =	vpush v1, $0x9;
	[tilespmem:s13], [sflag:$0x1] =	stream.linear.gather [hbm4b:s29+s2], $0x80, $0x38;
	[tilespmem:$0x10400] =	vst v63  }
0x99: {  	s16 =	sadd.s32 s4, s30;
	s17 =	sand.u32 $0x1FFFFFF0, s31;
	s29 =	spop (v2sf)  }
0x9a: {  	(v2sf) =	vpush v63, $0x9;
	[tilespmem:s14], [sflag:$0x2] =	stream.linear.gather [hbm4b:s16+s2], $0x80, $0x38;
	[tilespmem:$0x10400] =	vst v63  }
0x9b: {  	s22 =	sand.u32 $0x1FFFFFF0, s20;
	s13 =	smov.u32 s5;
	s5 =	spop (v2sf)  }
0x9c: {  	s21 =	sadd.s32 s3, s17;
	s30 =	sadd.s32 s4, s22;
	s14 =	sand.u32 $0x1FFFFFF0, s5  }
0x9d: {  	[tilespmem:s6], [sflag:$0x1] =	stream.linear.gather [hbm4b:s21+s2], $0x80, $0x38;
	[tilespmem:$0x10400] =	vst v63  }
0x9e: {  	(v2sf) =	vpush v1, $0xA;
	s31 =	sand.u32 $0x1FFFFFF0, s29;
	s16 =	sadd.s32 s4, s14;
	s15 =	spop (v2sf)  }
0x9f: {  	[tilespmem:s11], [sflag:$0x2] =	stream.linear.gather [hbm4b:s30+s2], $0x80, $0x38;
	[tilespmem:$0x10400] =	vst v63  }
0xa0: {  	(v2sf) =	vpush v63, $0xA;
	s11 =	sadd.s32 s3, s31;
	s17 =	sand.u32 $0x1FFFFFF0, s15;
	s20 =	spop (v2sf)  }
0xa1: {  	[tilespmem:s10], [sflag:$0x1] =	stream.linear.gather [hbm4b:s11+s2], $0x80, $0x38;
	[tilespmem:$0x10400] =	vst v63  }
0xa2: {  	s21 =	sadd.s32 s3, s17;
	s22 =	sand.u32 $0x1FFFFFF0, s20;
	s10 =	rddreg [dreg:$0x13]  }
0xa3: {  	[tilespmem:s9], [sflag:$0x2] =	stream.linear.gather [hbm4b:s16+s2], $0x80, $0x38;
	[tilespmem:$0x10400] =	vst v63  }
0xa4: {  	(v2sf) =	vpush v1, $0xB;
	s29 =	spop (v2sf);
	s30 =	sadd.s32 s4, s22;
	s22 =	rddreg [dreg:$0x7]  }
0xa5: {  	[tilespmem:s8], [sflag:$0x1] =	stream.linear.gather [hbm4b:s21+s2], $0x80, $0x38;
	[tilespmem:$0x10400] =	vst v63  }
0xa6: {  	(v2sf) =	vpush v63, $0xB;
	s31 =	sand.u32 $0x1FFFFFF0, s29;
	s9 =	rddreg [dreg:$0xf];
	s5 =	spop (v2sf)  }
0xa7: {  	(v2sf) =	vpush v1, $0xC;
	s6 =	sadd.s32 s3, s31;
	s16 =	rddreg [dreg:$0xd];
	s8 =	spop (v2sf)  }
0xa8: {  	[tilespmem:s7], [sflag:$0x2] =	stream.linear.gather [hbm4b:s30+s2], $0x80, $0x38;
	[tilespmem:$0x10400] =	vst v63  }
0xa9: {  	(v2sf) =	vpush v63, $0xC;
	s7 =	sand.u32 $0x1FFFFFF0, s5;
	s14 =	sand.u32 $0x1FFFFFF0, s8;
	s15 =	spop (v2sf)  }
0xaa: {  	[tilespmem:s9], [sflag:$0x1] =	stream.linear.gather [hbm4b:s6+s2], $0x80, $0x38;
	[tilespmem:$0x10400] =	vst v63  }
0xab: {  	s8 =	rddreg [dreg:$0xb];
	s11 =	sadd.s32 s4, s7;
	s17 =	sadd.s32 s3, s14  }
0xac: {  	[tilespmem:s16], [sflag:$0x2] =	stream.linear.gather [hbm4b:s11+s2], $0x80, $0x38;
	[tilespmem:$0x10400] =	vst v63  }
0xad: {  	s20 =	sand.u32 $0x1FFFFFF0, s15;
	s15 =	rddreg [dreg:$0x9];
	s21 =	spop (v2sf)  }
0xae: {  	[tilespmem:s22], [sflag:$0x1] =	stream.linear.gather [hbm4b:s17+s2], $0x80, $0x38;
	[tilespmem:$0x10400] =	vst v63  }
0xaf: {  	s29 =	sadd.s32 s4, s20;
	s30 =	sand.u32 $0x1FFFFFF0, s21;
	s31 =	spop (v2sf)  }
0xb0: {  	[tilespmem:s8], [sflag:$0x2] =	stream.linear.gather [hbm4b:s29+s2], $0x80, $0x38;
	[tilespmem:$0x10400] =	vst v63  }
0xb1: {  	s21 =	rddreg [dreg:$0x3];
	s9 =	sadd.s32 s3, s30;
	s11 =	sand.u32 $0x1FFFFFF0, s31  }
0xb2: {  	[tilespmem:s15], [sflag:$0x1] =	stream.linear.gather [hbm4b:s9+s2], $0x80, $0x38;
	[tilespmem:$0x10400] =	vst v63  }
0xb3: {  	s31 =	rddreg [dreg:$0x5];
	s16 =	sadd.s32 s4, s11;
	s14 =	spop (v2sf)  }
0xb4: {  	(v2sf) =	vpush v1, $0xD;
	[tilespmem:s21], [sflag:$0x2] =	stream.linear.gather [hbm4b:s16+s2], $0x80, $0x38;
	[tilespmem:$0x10400] =	vst v63  }
.Ltmp0:
0xb5: {  	(v2sf) =	vpush v63, $0xD;
	s17 =	sand.u32 $0x1FFFFFF0, s14;
	s20 =	spop (v2sf);
	(pc) =	sbr.rel @p0 .LBB2_2-.Ltmp0, $4  }
0xb6: {  	(v2sf) =	vpush v1, $0xE;
	s22 =	sadd.s32 s3, s17;
	s29 =	sand.u32 $0x1FFFFFF0, s20;
	s30 =	spop (v2sf)  }
0xb7: {  	(v2sf) =	vpush v63, $0xE;
	[tilespmem:s1], [sflag:$0x1] =	stream.linear.gather [hbm4b:s22+s2], $0x80, $0x38;
	[tilespmem:$0x10400] =	vst v63  }
0xb8: {  	(v2sf) =	vpush v1, $0xF;
	s5 =	sadd.s32 s4, s29;
	s0 =	sand.u32 $0x1FFFFFF0, s30;
	s1 =	spop (v2sf)  }
0xb9: {  	(v2sf) =	vpush v63, $0xF;
	[tilespmem:s31], [sflag:$0x2] =	stream.linear.gather [hbm4b:s5+s2], $0x80, $0x38;
	[tilespmem:$0x10400] =	vst v63  }
0xba: {  	_ =	sdelay $0x4  }
0xbb: {  	s0 =	sadd.s32 s3, s0;
	s1 =	sand.u32 $0x1FFFFFF0, s1  }
0xbc: {  	[tilespmem:s28], [sflag:$0x1] =	stream.linear.gather [hbm4b:s0+s2], $0x80, $0x38;
	[tilespmem:$0x10400] =	vst v63  }
0xbd: {  	s6 =	sadd.s32 s4, s1  }
0xbe: {  	[tilespmem:s12], [sflag:$0x2] =	stream.linear.gather [hbm4b:s6+s2], $0x80, $0x38;
	[tilespmem:$0x10400] =	vst v63  }
0xbf: {  	s5 =	spop (v2sf)  }
0xc0: {  	s7 =	sand.u32 $0x1FFFFFF0, s5;
	s8 =	spop (v2sf)  }
0xc1: {  	s9 =	sadd.s32 s3, s7;
	s11 =	sand.u32 $0x1FFFFFF0, s8;
	s12 =	spop (v2sf)  }
0xc2: {  	[tilespmem:s13], [sflag:$0x1] =	stream.linear.gather [hbm4b:s9+s2], $0x80, $0x38;
	[tilespmem:$0x10400] =	vst v63  }
0xc3: {  	s14 =	sadd.s32 s4, s11;
	s15 =	sand.u32 $0x1FFFFFF0, s12;
	s16 =	spop (v2sf)  }
0xc4: {  	[tilespmem:s10], [sflag:$0x2] =	stream.linear.gather [hbm4b:s14+s2], $0x80, $0x38;
	[tilespmem:$0x10400] =	vst v63  }
0xc5: {  	s17 =	sadd.s32 s3, s15;
	s19 =	sand.u32 $0x1FFFFFF0, s16;
	s20 =	spop (v2sf)  }
0xc6: {  	[tilespmem:s26], [sflag:$0x1] =	stream.linear.gather [hbm4b:s17+s2], $0x80, $0x38;
	[tilespmem:$0x10400] =	vst v63  }
0xc7: {  	s21 =	sadd.s32 s4, s19;
	s22 =	sand.u32 $0x1FFFFFF0, s20;
	s23 =	spop (v2sf)  }
0xc8: {  	[tilespmem:s25], [sflag:$0x2] =	stream.linear.gather [hbm4b:s21+s2], $0x80, $0x38;
	[tilespmem:$0x10400] =	vst v63  }
0xc9: {  	s24 =	sadd.s32 $0xB80, s18;
	s1 =	sadd.s32 s3, s22;
	s5 =	sand.u32 $0x1FFFFFF0, s23  }
0xca: {  	[tilespmem:s24], [sflag:$0x1] =	stream.linear.gather [hbm4b:s1+s2], $0x80, $0x38;
	[tilespmem:$0x10400] =	vst v63  }
0xcb: {  	s29 =	simm.s32 $0x1;
	s26 =	sadd.s32 s4, s5;
	s25 =	sadd.s32 $0x8B80, s18  }
0xcc: {  	[tilespmem:s25], [sflag:$0x2] =	stream.linear.gather [hbm4b:s26+s2], $0x80, $0x38;
	[tilespmem:$0x10400] =	vst v63  }
0xcd: {  	_ =	swait.ge [sflag:s29], $0x8000  }
0xce: {  	[sflag:s29] =	ssyncset.done $0x0  }
0xcf: {  	s30 =	simm.s32 $0x2;
	[sflag:s29] =	ssyncadd.s32 $0xFFFF8000  }
0xd0: {  	_ =	swait.ge [sflag:s30], $0x8000  }
0xd1: {  	s31 =	simm.s32 $0x0;
	s7 =	simm.s32 $0x400;
	[sflag:s30] =	ssyncset.done $0x0  }
0xd2: {  	s8 =	simm.s32 $0x3;
	s6 =	rddreg [dreg:$0x17];
	[sflag:s30] =	ssyncadd.s32 $0xFFFF8000  }
0xd3: {  	[hbm4b:s6+s31] =	stream.linear.scatter [tilespmem:s7], [sflag:$0x3], $0x8000, $0x38;
	[tilespmem:$0x10400] =	vst v63  }
0xd4: {  	_ =	swait.ge [sflag:s8], $0x8000  }
0xd5: {  	[sflag:s8] =	ssyncset.done $0x0  }
0xd6: {  	s6 =	simm.s32 $0x8400;
	s9 =	rddreg [dreg:$0x18];
	[sflag:s8] =	ssyncadd.s32 $0xFFFF8000  }
0xd7: {  	[hbm4b:s9+s31] =	stream.linear.scatter [tilespmem:s6], [sflag:$0x3], $0x8000, $0x38;
	[tilespmem:$0x10400] =	vst v63  }
0xd8: {  	_ =	swait.ge [sflag:s8], $0x8000  }
0xd9: {  	[sflag:s8] =	ssyncset.done $0x0  }
0xda: {  	s10 =	simm.s32 $0x100;
	[sflag:s8] =	ssyncadd.s32 $0xFFFF8000  }
0xdb: {  	s11 =	simm.s32 $0x300;
	v0 =	vld [tilespmem:s10+$0x0]  }
0xdc: {  	v2 =	vld [tilespmem:s11+$0x0];
	_ =	sdelay $0x3  }
0xdd: {  	v1 =	vshll.u32 v0, $0x4  }
0xde: {  	v63 =	vshll.u32 v2, $0x4;
	(v2sf) =	vpush v1, $0x0  }
0xdf: {  	(v2sf) =	vpush v63, $0x0;
	_ =	sdelay $0x2  }
0xe0: {  	(v2sf) =	vpush v1, $0x1  }
0xe1: {  	(v2sf) =	vpush v63, $0x1;
	_ =	sdelay $0x1  }
0xe2: {  	(v2sf) =	vpush v1, $0x2;
	_ =	sdelay $0x1  }
0xe3: {  	(v2sf) =	vpush v63, $0x2;
	_ =	sdelay $0x1  }
0xe4: {  	s0 =	simm.s32 $0x8900;
	(v2sf) =	vpush v1, $0x3  }
0xe5: {  	s28 =	simm.s32 $0xA00;
	s12 =	simm.s32 $0x8400;
	s16 =	simm.s32 $0x480  }
0xe6: {  	s19 =	simm.s32 $0x2000;
	s23 =	simm.s32 $0x500;
	s5 =	simm.s32 $0x680;
	(v2sf) =	vpush v63, $0x3  }
0xe7: {  	s18 =	simm.s32 $0x0;
	s21 =	simm.s32 $0x8480;
	s1 =	simm.s32 $0x880  }
0xe8: {  	s26 =	simm.s32 $0x8500;
	s7 =	simm.s32 $0x400;
	s8 =	spop (v2sf)  }
0xe9: {  	s9 =	simm.s32 $0x600;
	s8 =	sand.u32 $0x1FFFFFF0, s8;
	s11 =	spop (v2sf)  }
0xea: {  	s10 =	simm.s32 $0x580;
	(v2sf) =	vpush v1, $0x4;
	s8 =	sadd.s32 s3, s8;
	s13 =	sand.u32 $0x1FFFFFF0, s11  }
0xeb: {  	(v2sf) =	vpush v63, $0x4;
	[tilespmem:s7], [sflag:$0x1] =	stream.linear.gather [hbm4b:s8+s2], $0x80, $0x38;
	[tilespmem:$0x10400] =	vst v63  }
0xec: {  	s14 =	spop (v2sf);
	s7 =	simm.s32 $0x8580;
	s8 =	sadd.s32 s4, s13  }
0xed: {  	s11 =	sand.u32 $0x1FFFFFF0, s14;
	s15 =	spop (v2sf);
	s14 =	simm.s32 $0x8600  }
0xee: {  	(v2sf) =	vpush v1, $0x5;
	[tilespmem:s12], [sflag:$0x2] =	stream.linear.gather [hbm4b:s8+s2], $0x80, $0x38;
	[tilespmem:$0x10400] =	vst v63  }
0xef: {  	s17 =	sadd.s32 s3, s11;
	s20 =	sand.u32 $0x1FFFFFF0, s15;
	s22 =	spop (v2sf)  }
0xf0: {  	(v2sf) =	vpush v63, $0x5;
	[tilespmem:s16], [sflag:$0x1] =	stream.linear.gather [hbm4b:s17+s2], $0x80, $0x38;
	[tilespmem:$0x10400] =	vst v63  }
0xf1: {  	s11 =	sadd.s32 s4, s20;
	s8 =	sand.u32 $0x1FFFFFF0, s22;
	s24 =	spop (v2sf)  }
0xf2: {  	[tilespmem:s21], [sflag:$0x2] =	stream.linear.gather [hbm4b:s11+s2], $0x80, $0x38;
	[tilespmem:$0x10400] =	vst v63  }
0xf3: {  	(v2sf) =	vpush v1, $0x6;
	s8 =	sadd.s32 s3, s8;
	s25 =	spop (v2sf);
	s11 =	sand.u32 $0x1FFFFFF0, s24  }
0xf4: {  	(v2sf) =	vpush v63, $0x6;
	[tilespmem:s23], [sflag:$0x1] =	stream.linear.gather [hbm4b:s8+s2], $0x80, $0x38;
	[tilespmem:$0x10400] =	vst v63  }
0xf5: {  	s30 =	sand.u32 $0x1FFFFFF0, s25;
	s31 =	spop (v2sf);
	s29 =	sadd.s32 s4, s11  }
0xf6: {  	(v2sf) =	vpush v1, $0x7;
	[tilespmem:s26], [sflag:$0x2] =	stream.linear.gather [hbm4b:s29+s2], $0x80, $0x38;
	[tilespmem:$0x10400] =	vst v63  }
0xf7: {  	s12 =	simm.s32 $0x8A00;
	s13 =	sadd.s32 s3, s30;
	s6 =	sand.u32 $0x1FFFFFF0, s31  }
0xf8: {  	[tilespmem:s10], [sflag:$0x1] =	stream.linear.gather [hbm4b:s13+s2], $0x80, $0x38;
	[tilespmem:$0x10400] =	vst v63  }
0xf9: {  	s6 =	sadd.s32 s4, s6;
	s21 =	simm.s32 $0x8680;
	s15 =	spop (v2sf)  }
0xfa: {  	(v2sf) =	vpush v63, $0x7;
	s23 =	simm.s32 $0x700;
	s10 =	sand.u32 $0x1FFFFFF0, s15;
	s16 =	spop (v2sf)  }
0xfb: {  	[tilespmem:s7], [sflag:$0x2] =	stream.linear.gather [hbm4b:s6+s2], $0x80, $0x38;
	[tilespmem:$0x10400] =	vst v63  }
0xfc: {  	s13 =	simm.s32 $0xA80;
	(v2sf) =	vpush v1, $0x8;
	s17 =	sadd.s32 s3, s10;
	s20 =	sand.u32 $0x1FFFFFF0, s16  }
0xfd: {  	s10 =	simm.s32 $0x8A80;
	s22 =	spop (v2sf);
	s7 =	sadd.s32 s4, s20  }
0xfe: {  	(v2sf) =	vpush v63, $0x8;
	[tilespmem:s9], [sflag:$0x1] =	stream.linear.gather [hbm4b:s17+s2], $0x80, $0x38;
	[tilespmem:$0x10400] =	vst v63  }
0xff: {  	s24 =	sand.u32 $0x1FFFFFF0, s22;
	s25 =	spop (v2sf);
	s17 =	simm.s32 $0x780  }
0x100: {  	(v2sf) =	vpush v1, $0x9;
	s22 =	simm.s32 $0x8780;
	s8 =	sadd.s32 s3, s24;
	s9 =	sand.u32 $0x1FFFFFF0, s25  }
0x101: {  	(v2sf) =	vpush v63, $0x9;
	[tilespmem:s14], [sflag:$0x2] =	stream.linear.gather [hbm4b:s7+s2], $0x80, $0x38;
	[tilespmem:$0x10400] =	vst v63  }
0x102: {  	s26 =	spop (v2sf);
	s24 =	simm.s32 $0x800;
	s29 =	sadd.s32 s4, s9  }
0x103: {  	(v2sf) =	vpush v1, $0xA;
	s30 =	sand.u32 $0x1FFFFFF0, s26;
	s31 =	spop (v2sf);
	s14 =	simm.s32 $0x8700  }
0x104: {  	[tilespmem:s5], [sflag:$0x1] =	stream.linear.gather [hbm4b:s8+s2], $0x80, $0x38;
	[tilespmem:$0x10400] =	vst v63  }
0x105: {  	(v2sf) =	vpush v63, $0xA;
	s9 =	simm.s32 $0x8880;
	s11 =	sadd.s32 s3, s30;
	s15 =	spop (v2sf)  }
0x106: {  	[tilespmem:s21], [sflag:$0x2] =	stream.linear.gather [hbm4b:s29+s2], $0x80, $0x38;
	[tilespmem:$0x10400] =	vst v63  }
0x107: {  	s6 =	sand.u32 $0x1FFFFFF0, s31;
	(v2sf) =	vpush v1, $0xB;
	s5 =	simm.s32 $0x8980;
	s8 =	sand.u32 $0x1FFFFFF0, s15  }
0x108: {  	[tilespmem:s23], [sflag:$0x1] =	stream.linear.gather [hbm4b:s11+s2], $0x80, $0x38;
	[tilespmem:$0x10400] =	vst v63  }
0x109: {  	s6 =	sadd.s32 s4, s6;
	s16 =	spop (v2sf);
	s20 =	sadd.s32 s3, s8  }
0x10a: {  	[tilespmem:s14], [sflag:$0x2] =	stream.linear.gather [hbm4b:s6+s2], $0x80, $0x38;
	[tilespmem:$0x10400] =	vst v63  }
0x10b: {  	(v2sf) =	vpush v63, $0xB;
	s21 =	sand.u32 $0x1FFFFFF0, s16;
	s29 =	simm.s32 $0x8800;
	s23 =	spop (v2sf)  }
0x10c: {  	[tilespmem:s17], [sflag:$0x1] =	stream.linear.gather [hbm4b:s20+s2], $0x80, $0x38;
	[tilespmem:$0x10400] =	vst v63  }
0x10d: {  	s8 =	sadd.s32 s4, s21;
	s7 =	sand.u32 $0x1FFFFFF0, s23;
	s25 =	spop (v2sf)  }
0x10e: {  	[tilespmem:s22], [sflag:$0x2] =	stream.linear.gather [hbm4b:s8+s2], $0x80, $0x38;
	[tilespmem:$0x10400] =	vst v63  }
0x10f: {  	s14 =	simm.s32 $0x900;
	(v2sf) =	vpush v1, $0xC;
	s7 =	sadd.s32 s3, s7;
	s26 =	spop (v2sf)  }
0x110: {  	s8 =	sand.u32 $0x1FFFFFF0, s25;
	(v2sf) =	vpush v63, $0xC;
	s25 =	simm.s32 $0x980;
	s11 =	spop (v2sf)  }
0x111: {  	[tilespmem:s24], [sflag:$0x1] =	stream.linear.gather [hbm4b:s7+s2], $0x80, $0x38;
	[tilespmem:$0x10400] =	vst v63  }
0x112: {  	s30 =	sadd.s32 s4, s8;
	s31 =	sand.u32 $0x1FFFFFF0, s26;
	s15 =	spop (v2sf)  }
0x113: {  	[tilespmem:s29], [sflag:$0x2] =	stream.linear.gather [hbm4b:s30+s2], $0x80, $0x38;
	[tilespmem:$0x10400] =	vst v63  }
0x114: {  	s8 =	sadd.s32 s3, s31;
	s7 =	sand.u32 $0x1FFFFFF0, s11;
	s16 =	spop (v2sf)  }
0x115: {  	[tilespmem:s1], [sflag:$0x1] =	stream.linear.gather [hbm4b:s8+s2], $0x80, $0x38;
	[tilespmem:$0x10400] =	vst v63  }
0x116: {  	s7 =	sadd.s32 s4, s7;
	s21 =	spop (v2sf);
	s8 =	sand.u32 $0x1FFFFFF0, s15  }
0x117: {  	[tilespmem:s9], [sflag:$0x2] =	stream.linear.gather [hbm4b:s7+s2], $0x80, $0x38;
	[tilespmem:$0x10400] =	vst v63  }
0x118: {  	s20 =	sand.u32 $0x1FFFFFF0, s16;
	s23 =	sand.u32 $0x1FFFFFF0, s21;
	s17 =	sadd.s32 s3, s8  }
0x119: {  	[tilespmem:s14], [sflag:$0x1] =	stream.linear.gather [hbm4b:s17+s2], $0x80, $0x38;
	[tilespmem:$0x10400] =	vst v63  }
0x11a: {  	s22 =	sadd.s32 s4, s20;
	s24 =	spop (v2sf);
	s26 =	sadd.s32 s3, s23  }
0x11b: {  	(v2sf) =	vpush v1, $0xD;
	[tilespmem:s0], [sflag:$0x2] =	stream.linear.gather [hbm4b:s22+s2], $0x80, $0x38;
	[tilespmem:$0x10400] =	vst v63  }
0x11c: {  	(v2sf) =	vpush v63, $0xD;
	s29 =	sand.u32 $0x1FFFFFF0, s24;
	s23 =	simm.s32 $0x110;
	s24 =	simm.s32 $0x310  }
0x11d: {  	(v2sf) =	vpush v1, $0xE;
	[tilespmem:s25], [sflag:$0x1] =	stream.linear.gather [hbm4b:s26+s2], $0x80, $0x38;
	[tilespmem:$0x10400] =	vst v63  }
0x11e: {  	s30 =	sadd.s32 s4, s29;
	(v2sf) =	vpush v63, $0xE;
	s31 =	spop (v2sf);
	s26 =	simm.s32 $0xB00  }
0x11f: {  	(v2sf) =	vpush v1, $0xF;
	s25 =	simm.s32 $0x8B00;
	s0 =	sand.u32 $0x1FFFFFF0, s31;
	s1 =	spop (v2sf)  }
0x120: {  	(v2sf) =	vpush v63, $0xF;
	[tilespmem:s5], [sflag:$0x2] =	stream.linear.gather [hbm4b:s30+s2], $0x80, $0x38;
	[tilespmem:$0x10400] =	vst v63  }
.LBB2_4:
0x121: {  	_ =	sdelay $0x4  }
0x122: {  	s0 =	sadd.s32 s3, s0;
	s1 =	sand.u32 $0x1FFFFFF0, s1  }
0x123: {  	[tilespmem:s28], [sflag:$0x1] =	stream.linear.gather [hbm4b:s0+s2], $0x80, $0x38;
	[tilespmem:$0x10400] =	vst v63  }
0x124: {  	s29 =	sadd.s32 s4, s1  }
0x125: {  	[tilespmem:s12], [sflag:$0x2] =	stream.linear.gather [hbm4b:s29+s2], $0x80, $0x38;
	[tilespmem:$0x10400] =	vst v63  }
0x126: {  	s5 =	spop (v2sf)  }
0x127: {  	s30 =	sand.u32 $0x1FFFFFF0, s5;
	s31 =	spop (v2sf)  }
0x128: {  	s1 =	sadd.s32 s3, s30;
	s5 =	sand.u32 $0x1FFFFFF0, s31;
	s6 =	spop (v2sf)  }
0x129: {  	[tilespmem:s13], [sflag:$0x1] =	stream.linear.gather [hbm4b:s1+s2], $0x80, $0x38;
	[tilespmem:$0x10400] =	vst v63  }
0x12a: {  	s7 =	sadd.s32 s4, s5;
	s8 =	sand.u32 $0x1FFFFFF0, s6;
	s9 =	spop (v2sf)  }
0x12b: {  	[tilespmem:s10], [sflag:$0x2] =	stream.linear.gather [hbm4b:s7+s2], $0x80, $0x38;
	[tilespmem:$0x10400] =	vst v63  }
0x12c: {  	s11 =	sand.u32 $0x1FFFFFF0, s9;
	s12 =	spop (v2sf);
	s10 =	sadd.s32 s3, s8  }
0x12d: {  	[tilespmem:s26], [sflag:$0x1] =	stream.linear.gather [hbm4b:s10+s2], $0x80, $0x38;
	[tilespmem:$0x10400] =	vst v63  }
0x12e: {  	s13 =	sadd.s32 s4, s11;
	s14 =	sand.u32 $0x1FFFFFF0, s12;
	s15 =	spop (v2sf)  }
0x12f: {  	[tilespmem:s25], [sflag:$0x2] =	stream.linear.gather [hbm4b:s13+s2], $0x80, $0x38;
	[tilespmem:$0x10400] =	vst v63  }
0x130: {  	s16 =	sadd.s32 $0xB80, s18;
	s1 =	sadd.s32 s3, s14;
	s5 =	sand.u32 $0x1FFFFFF0, s15  }
0x131: {  	[tilespmem:s16], [sflag:$0x1] =	stream.linear.gather [hbm4b:s1+s2], $0x80, $0x38;
	[tilespmem:$0x10400] =	vst v63  }
0x132: {  	s17 =	sadd.s32 $0x8B80, s18;
	s18 =	sadd.s32 s4, s5  }
0x133: {  	[tilespmem:s17], [sflag:$0x2] =	stream.linear.gather [hbm4b:s18+s2], $0x80, $0x38;
	[tilespmem:$0x10400] =	vst v63  }
0x134: {  	v0 =	vld [tilespmem:s23+$0x0]  }
0x135: {  	v2 =	vld [tilespmem:s24+$0x0];
	_ =	sdelay $0x3  }
0x136: {  	v1 =	vshll.u32 v0, $0x4  }
0x137: {  	s20 =	smov.u32 s19;
	v63 =	vshll.u32 v2, $0x4;
	(v2sf) =	vpush v1, $0x0  }
0x138: {  	s18 =	sshra.s32 s20, $0x2;
	(v2sf) =	vpush v63, $0x0  }
0x139: {  	p0 =	sne.s32 s19, $0x1E000;
	s19 =	sadd.s32 $0x2000, s19;
	s30 =	sadd.s32 $0x8400, s18;
	(v2sf) =	vpush v1, $0x1  }
0x13a: {  	s6 =	sadd.s32 $0x680, s18;
	s0 =	sadd.s32 $0x880, s18;
	s29 =	sadd.s32 $0x400, s18  }
0x13b: {  	s13 =	sadd.s32 $0x600, s18;
	s21 =	sadd.s32 $0x8900, s18;
	s12 =	sadd.s32 $0x580, s18;
	(v2sf) =	vpush v63, $0x1  }
0x13c: {  	s17 =	sadd.s32 $0x8580, s18;
	s22 =	sadd.s32 $0x8A00, s18;
	s20 =	sadd.s32 $0x500, s18  }
0x13d: {  	s14 =	sadd.s32 $0x8600, s18;
	s5 =	sadd.s32 $0xA80, s18;
	s31 =	sadd.s32 $0x8480, s18;
	(v2sf) =	vpush v1, $0x2  }
0x13e: {  	s11 =	sadd.s32 $0x8680, s18;
	s10 =	sadd.s32 $0x700, s18;
	[dreg:$0x8] =	wrdreg s0  }
0x13f: {  	s25 =	sadd.s32 $0x8980, s18;
	s26 =	sadd.s32 $0x8A80, s18;
	[dreg:$0x4] =	wrdreg s21;
	(v2sf) =	vpush v63, $0x2  }
0x140: {  	s9 =	sadd.s32 $0x8700, s18;
	s7 =	sadd.s32 $0x8880, s18;
	[dreg:$0x12] =	wrdreg s22  }
0x141: {  	s8 =	sadd.s32 $0x900, s18;
	s15 =	sadd.s32 $0x8800, s18;
	[dreg:$0x6] =	wrdreg s25;
	(v2sf) =	vpush v1, $0x3  }
0x142: {  	s28 =	sadd.s32 $0xA00, s18;
	s16 =	sadd.s32 $0x800, s18;
	[dreg:$0x14] =	wrdreg s26  }
0x143: {  	s23 =	sadd.s32 $0x10, s23;
	s24 =	sadd.s32 $0x10, s24;
	[dreg:$0xc] =	wrdreg s7;
	(v2sf) =	vpush v63, $0x3  }
0x144: {  	s1 =	sadd.s32 $0x980, s18;
	s0 =	sadd.s32 $0x8500, s18;
	[dreg:$0xa] =	wrdreg s8  }
0x145: {  	s8 =	sadd.s32 $0x780, s18;
	[dreg:$0xe] =	wrdreg s15;
	s15 =	sadd.s32 $0x480, s18;
	(v2sf) =	vpush v1, $0x4  }
0x146: {  	s7 =	sadd.s32 $0x8780, s18;
	[dreg:$0x10] =	wrdreg s16;
	s21 =	spop (v2sf)  }
0x147: {  	s26 =	sadd.s32 $0xB00, s18;
	s21 =	sand.u32 $0x1FFFFFF0, s21;
	s22 =	spop (v2sf);
	(v2sf) =	vpush v63, $0x4  }
0x148: {  	s21 =	sadd.s32 s3, s21;
	s22 =	sand.u32 $0x1FFFFFF0, s22;
	s16 =	spop (v2sf)  }
0x149: {  	(v2sf) =	vpush v1, $0x5;
	[tilespmem:s29], [sflag:$0x1] =	stream.linear.gather [hbm4b:s21+s2], $0x80, $0x38;
	[tilespmem:$0x10400] =	vst v63  }
0x14a: {  	s22 =	sadd.s32 s4, s22;
	s16 =	sand.u32 $0x1FFFFFF0, s16;
	s29 =	spop (v2sf);
	(v2sf) =	vpush v63, $0x5  }
0x14b: {  	[tilespmem:s30], [sflag:$0x2] =	stream.linear.gather [hbm4b:s22+s2], $0x80, $0x38;
	[tilespmem:$0x10400] =	vst v63  }
0x14c: {  	s16 =	sadd.s32 s3, s16;
	s29 =	sand.u32 $0x1FFFFFF0, s29;
	s30 =	spop (v2sf);
	(v2sf) =	vpush v1, $0x6  }
0x14d: {  	[tilespmem:s15], [sflag:$0x1] =	stream.linear.gather [hbm4b:s16+s2], $0x80, $0x38;
	[tilespmem:$0x10400] =	vst v63  }
0x14e: {  	s21 =	sand.u32 $0x1FFFFFF0, s30;
	s22 =	spop (v2sf);
	(v2sf) =	vpush v63, $0x6;
	s16 =	sadd.s32 s4, s29  }
0x14f: {  	[tilespmem:s31], [sflag:$0x2] =	stream.linear.gather [hbm4b:s16+s2], $0x80, $0x38;
	[tilespmem:$0x10400] =	vst v63  }
0x150: {  	s29 =	sadd.s32 s3, s21;
	s30 =	sand.u32 $0x1FFFFFF0, s22;
	s31 =	spop (v2sf)  }
0x151: {  	(v2sf) =	vpush v1, $0x7;
	[tilespmem:s20], [sflag:$0x1] =	stream.linear.gather [hbm4b:s29+s2], $0x80, $0x38;
	[tilespmem:$0x10400] =	vst v63  }
0x152: {  	s21 =	sand.u32 $0x1FFFFFF0, s31;
	s22 =	spop (v2sf);
	s20 =	sadd.s32 s4, s30  }
0x153: {  	(v2sf) =	vpush v63, $0x7;
	[tilespmem:s0], [sflag:$0x2] =	stream.linear.gather [hbm4b:s20+s2], $0x80, $0x38;
	[tilespmem:$0x10400] =	vst v63  }
0x154: {  	s29 =	sadd.s32 s3, s21;
	s30 =	sand.u32 $0x1FFFFFF0, s22;
	s31 =	spop (v2sf)  }
0x155: {  	[tilespmem:s12], [sflag:$0x1] =	stream.linear.gather [hbm4b:s29+s2], $0x80, $0x38;
	[tilespmem:$0x10400] =	vst v63  }
0x156: {  	s21 =	sand.u32 $0x1FFFFFF0, s31;
	s20 =	sadd.s32 s4, s30;
	s22 =	spop (v2sf)  }
0x157: {  	(v2sf) =	vpush v1, $0x8;
	[tilespmem:s17], [sflag:$0x2] =	stream.linear.gather [hbm4b:s20+s2], $0x80, $0x38;
	[tilespmem:$0x10400] =	vst v63  }
0x158: {  	s25 =	sadd.s32 $0x8B00, s18;
	s29 =	sadd.s32 s3, s21;
	s31 =	spop (v2sf)  }
0x159: {  	s12 =	rddreg [dreg:$0x12];
	(v2sf) =	vpush v63, $0x8;
	s30 =	sand.u32 $0x1FFFFFF0, s22;
	s20 =	spop (v2sf)  }
0x15a: {  	(v2sf) =	vpush v1, $0x9;
	[tilespmem:s13], [sflag:$0x1] =	stream.linear.gather [hbm4b:s29+s2], $0x80, $0x38;
	[tilespmem:$0x10400] =	vst v63  }
0x15b: {  	s16 =	sadd.s32 s4, s30;
	s17 =	sand.u32 $0x1FFFFFF0, s31;
	s29 =	spop (v2sf)  }
0x15c: {  	(v2sf) =	vpush v63, $0x9;
	[tilespmem:s14], [sflag:$0x2] =	stream.linear.gather [hbm4b:s16+s2], $0x80, $0x38;
	[tilespmem:$0x10400] =	vst v63  }
0x15d: {  	s22 =	sand.u32 $0x1FFFFFF0, s20;
	s13 =	smov.u32 s5;
	s5 =	spop (v2sf)  }
0x15e: {  	s21 =	sadd.s32 s3, s17;
	s30 =	sadd.s32 s4, s22;
	s14 =	sand.u32 $0x1FFFFFF0, s5  }
0x15f: {  	[tilespmem:s6], [sflag:$0x1] =	stream.linear.gather [hbm4b:s21+s2], $0x80, $0x38;
	[tilespmem:$0x10400] =	vst v63  }
0x160: {  	(v2sf) =	vpush v1, $0xA;
	s31 =	sand.u32 $0x1FFFFFF0, s29;
	s16 =	sadd.s32 s4, s14;
	s15 =	spop (v2sf)  }
0x161: {  	[tilespmem:s11], [sflag:$0x2] =	stream.linear.gather [hbm4b:s30+s2], $0x80, $0x38;
	[tilespmem:$0x10400] =	vst v63  }
0x162: {  	(v2sf) =	vpush v63, $0xA;
	s11 =	sadd.s32 s3, s31;
	s17 =	sand.u32 $0x1FFFFFF0, s15;
	s20 =	spop (v2sf)  }
0x163: {  	[tilespmem:s10], [sflag:$0x1] =	stream.linear.gather [hbm4b:s11+s2], $0x80, $0x38;
	[tilespmem:$0x10400] =	vst v63  }
0x164: {  	s21 =	sadd.s32 s3, s17;
	s22 =	sand.u32 $0x1FFFFFF0, s20;
	s10 =	rddreg [dreg:$0x14]  }
0x165: {  	[tilespmem:s9], [sflag:$0x2] =	stream.linear.gather [hbm4b:s16+s2], $0x80, $0x38;
	[tilespmem:$0x10400] =	vst v63  }
0x166: {  	(v2sf) =	vpush v1, $0xB;
	s29 =	spop (v2sf);
	s30 =	sadd.s32 s4, s22;
	s22 =	rddreg [dreg:$0x8]  }
0x167: {  	[tilespmem:s8], [sflag:$0x1] =	stream.linear.gather [hbm4b:s21+s2], $0x80, $0x38;
	[tilespmem:$0x10400] =	vst v63  }
0x168: {  	(v2sf) =	vpush v63, $0xB;
	s31 =	sand.u32 $0x1FFFFFF0, s29;
	s9 =	rddreg [dreg:$0x10];
	s5 =	spop (v2sf)  }
0x169: {  	(v2sf) =	vpush v1, $0xC;
	s6 =	sadd.s32 s3, s31;
	s16 =	rddreg [dreg:$0xe];
	s8 =	spop (v2sf)  }
0x16a: {  	[tilespmem:s7], [sflag:$0x2] =	stream.linear.gather [hbm4b:s30+s2], $0x80, $0x38;
	[tilespmem:$0x10400] =	vst v63  }
0x16b: {  	(v2sf) =	vpush v63, $0xC;
	s7 =	sand.u32 $0x1FFFFFF0, s5;
	s14 =	sand.u32 $0x1FFFFFF0, s8;
	s15 =	spop (v2sf)  }
0x16c: {  	[tilespmem:s9], [sflag:$0x1] =	stream.linear.gather [hbm4b:s6+s2], $0x80, $0x38;
	[tilespmem:$0x10400] =	vst v63  }
0x16d: {  	s8 =	rddreg [dreg:$0xc];
	s11 =	sadd.s32 s4, s7;
	s17 =	sadd.s32 s3, s14  }
0x16e: {  	[tilespmem:s16], [sflag:$0x2] =	stream.linear.gather [hbm4b:s11+s2], $0x80, $0x38;
	[tilespmem:$0x10400] =	vst v63  }
0x16f: {  	s20 =	sand.u32 $0x1FFFFFF0, s15;
	s15 =	rddreg [dreg:$0xa];
	s21 =	spop (v2sf)  }
0x170: {  	[tilespmem:s22], [sflag:$0x1] =	stream.linear.gather [hbm4b:s17+s2], $0x80, $0x38;
	[tilespmem:$0x10400] =	vst v63  }
0x171: {  	s29 =	sadd.s32 s4, s20;
	s30 =	sand.u32 $0x1FFFFFF0, s21;
	s31 =	spop (v2sf)  }
0x172: {  	[tilespmem:s8], [sflag:$0x2] =	stream.linear.gather [hbm4b:s29+s2], $0x80, $0x38;
	[tilespmem:$0x10400] =	vst v63  }
0x173: {  	s21 =	rddreg [dreg:$0x4];
	s9 =	sadd.s32 s3, s30;
	s11 =	sand.u32 $0x1FFFFFF0, s31  }
0x174: {  	[tilespmem:s15], [sflag:$0x1] =	stream.linear.gather [hbm4b:s9+s2], $0x80, $0x38;
	[tilespmem:$0x10400] =	vst v63  }
0x175: {  	s31 =	rddreg [dreg:$0x6];
	s16 =	sadd.s32 s4, s11;
	s14 =	spop (v2sf)  }
0x176: {  	(v2sf) =	vpush v1, $0xD;
	[tilespmem:s21], [sflag:$0x2] =	stream.linear.gather [hbm4b:s16+s2], $0x80, $0x38;
	[tilespmem:$0x10400] =	vst v63  }
.Ltmp1:
0x177: {  	(v2sf) =	vpush v63, $0xD;
	s17 =	sand.u32 $0x1FFFFFF0, s14;
	s20 =	spop (v2sf);
	(pc) =	sbr.rel @p0 .LBB2_4-.Ltmp1, $4  }
0x178: {  	(v2sf) =	vpush v1, $0xE;
	s22 =	sadd.s32 s3, s17;
	s29 =	sand.u32 $0x1FFFFFF0, s20;
	s30 =	spop (v2sf)  }
0x179: {  	(v2sf) =	vpush v63, $0xE;
	[tilespmem:s1], [sflag:$0x1] =	stream.linear.gather [hbm4b:s22+s2], $0x80, $0x38;
	[tilespmem:$0x10400] =	vst v63  }
0x17a: {  	(v2sf) =	vpush v1, $0xF;
	s5 =	sadd.s32 s4, s29;
	s0 =	sand.u32 $0x1FFFFFF0, s30;
	s1 =	spop (v2sf)  }
0x17b: {  	(v2sf) =	vpush v63, $0xF;
	[tilespmem:s31], [sflag:$0x2] =	stream.linear.gather [hbm4b:s5+s2], $0x80, $0x38;
	[tilespmem:$0x10400] =	vst v63  }
0x17c: {  	_ =	sdelay $0x4  }
0x17d: {  	s0 =	sadd.s32 s3, s0;
	s1 =	sand.u32 $0x1FFFFFF0, s1  }
0x17e: {  	[tilespmem:s28], [sflag:$0x1] =	stream.linear.gather [hbm4b:s0+s2], $0x80, $0x38;
	[tilespmem:$0x10400] =	vst v63  }
0x17f: {  	s29 =	sadd.s32 s4, s1  }
0x180: {  	[tilespmem:s12], [sflag:$0x2] =	stream.linear.gather [hbm4b:s29+s2], $0x80, $0x38;
	[tilespmem:$0x10400] =	vst v63  }
0x181: {  	s5 =	spop (v2sf)  }
0x182: {  	s30 =	sand.u32 $0x1FFFFFF0, s5;
	s31 =	spop (v2sf)  }
0x183: {  	s6 =	sadd.s32 s3, s30;
	s7 =	sand.u32 $0x1FFFFFF0, s31;
	s8 =	spop (v2sf)  }
0x184: {  	[tilespmem:s13], [sflag:$0x1] =	stream.linear.gather [hbm4b:s6+s2], $0x80, $0x38;
	[tilespmem:$0x10400] =	vst v63  }
0x185: {  	s9 =	sadd.s32 s4, s7;
	s11 =	sand.u32 $0x1FFFFFF0, s8;
	s12 =	spop (v2sf)  }
0x186: {  	[tilespmem:s10], [sflag:$0x2] =	stream.linear.gather [hbm4b:s9+s2], $0x80, $0x38;
	[tilespmem:$0x10400] =	vst v63  }
0x187: {  	s13 =	sadd.s32 s3, s11;
	s14 =	sand.u32 $0x1FFFFFF0, s12;
	s15 =	spop (v2sf)  }
0x188: {  	[tilespmem:s26], [sflag:$0x1] =	stream.linear.gather [hbm4b:s13+s2], $0x80, $0x38;
	[tilespmem:$0x10400] =	vst v63  }
0x189: {  	s16 =	sadd.s32 s4, s14;
	s17 =	sand.u32 $0x1FFFFFF0, s15;
	s19 =	spop (v2sf)  }
0x18a: {  	[tilespmem:s25], [sflag:$0x2] =	stream.linear.gather [hbm4b:s16+s2], $0x80, $0x38;
	[tilespmem:$0x10400] =	vst v63  }
0x18b: {  	s20 =	sadd.s32 $0xB80, s18;
	s1 =	sadd.s32 s3, s17;
	s5 =	sand.u32 $0x1FFFFFF0, s19  }
0x18c: {  	[tilespmem:s20], [sflag:$0x1] =	stream.linear.gather [hbm4b:s1+s2], $0x80, $0x38;
	[tilespmem:$0x10400] =	vst v63  }
0x18d: {  	s21 =	sadd.s32 $0x8B80, s18;
	s23 =	simm.s32 $0x1;
	s22 =	sadd.s32 s4, s5  }
0x18e: {  	[tilespmem:s21], [sflag:$0x2] =	stream.linear.gather [hbm4b:s22+s2], $0x80, $0x38;
	[tilespmem:$0x10400] =	vst v63  }
0x18f: {  	_ =	swait.ge [sflag:s23], $0x8000  }
0x190: {  	[sflag:s23] =	ssyncset.done $0x0  }
0x191: {  	s24 =	simm.s32 $0x2;
	[sflag:s23] =	ssyncadd.s32 $0xFFFF8000  }
0x192: {  	_ =	swait.ge [sflag:s24], $0x8000  }
0x193: {  	s26 =	simm.s32 $0x400;
	[sflag:s24] =	ssyncset.done $0x0  }
0x194: {  	s5 =	simm.s32 $0x3;
	s25 =	rddreg [dreg:$0x19];
	[sflag:s24] =	ssyncadd.s32 $0xFFFF8000  }
0x195: {  	[hbm4b:s25+s2] =	stream.linear.scatter [tilespmem:s26], [sflag:$0x3], $0x8000, $0x38;
	[tilespmem:$0x10400] =	vst v63  }
0x196: {  	_ =	swait.ge [sflag:s5], $0x8000  }
0x197: {  	[sflag:s5] =	ssyncset.done $0x0  }
0x198: {  	s29 =	simm.s32 $0x8400;
	s28 =	rddreg [dreg:$0x1a];
	[sflag:s5] =	ssyncadd.s32 $0xFFFF8000  }
0x199: {  	[hbm4b:s28+s2] =	stream.linear.scatter [tilespmem:s29], [sflag:$0x3], $0x8000, $0x38;
	[tilespmem:$0x10400] =	vst v63  }
0x19a: {  	_ =	swait.ge [sflag:s5], $0x8000  }
0x19b: {  	s30 =	rddreg [dreg:$0x1c]  }
0x19c: {  	s31 =	rddreg [dreg:$0x1b];
	s1 =	sadd.s32 $0x1, s30  }
0x19d: {  	p0 =	sne.s32 s1, s31  }
.Ltmp2:
0x19e: {  	_ = 	snop;
	(pc) =	sbr.rel @p0 .LBB2_1-.Ltmp2, $3  }
0x19f: {  	_ =	sdelay $0x1  }
0x1a0: {  	[sflag:s5] =	ssyncset.done $0x0  }
0x1a1: {  	[sflag:s5] =	ssyncadd.s32 $0xFFFF8000  }
0x1a2: {  	_ =	sfence.sel $0x180000  }
0x1a3: {  	[bflag:$0x0] =	sbarrier.arrive $0xFFFF  }
0x1a4: {  	_ =	strace $0x90000047  }
0x1a5: {  	s0 =	stileid.u32;
	[bflag:$0x2] =	sbarrier.arrive $0xFFFF  }
0x1a6: {  	p0 =	sne.s32 s0, $0x0;
	s0 =	rddreg [dreg:$0x2]  }
0x1a7: {  	s0 =	sadd.s32 @!p0 $0x100000, s0  }
0x1a8: {  	[sflag:s0] =	ssyncadd.tile.s32 @!p0 $0x1;
	_ =	shalt  }
.Lfunc_end2:
_tile_overlayer_lowered:
.L_overlay_start_2:
0x1a9: {  	(tag) =	ssettag $0x2  }
0x1aa: {  	s0 =	rddreg [dreg:$0x0];
	s2 =	stileid.u32  }
0x1ab: {  	s1 =	rddreg [dreg:$0x1];
	p0 =	sne.s32 s2, $0x0  }
0x1ac: {  	s3 =	rddreg [dreg:$0x2];
	[bflag:$0x3] =	sbarrier.arrive $0xFFFF;
	s2 =	simm.s32 @!p0 $0x1C03  }
0x1ad: {  	[timem:s3], [sflag:s2] =	dma.local @!p0 [hbm:s0], s1  }
0x1ae: {  	s0 =	simm.s32 @!p0 $0x3  }
0x1af: {  	_ =	swait.ge @!p0 [sflag:s0], s1  }
0x1b0: {  	s1 =	ssub.s32 @!p0 $0x0, s1;
	[sflag:s0] =	ssyncset.done @!p0 $0x0  }
0x1b1: {  	[sflag:s0] =	ssyncadd.s32 @!p0 s1  }
0x1b2: {  	[bflag:$0x3] =	sbarrier.arrive $0xFFFF  }
0x1b3: {  	_ =	shalt  }

</sc_bundles>
